<compile_context>
chip_gen: v7x
topology: tpu7x:2x2x1
jax: 0.10.2.dev20260603
libtpu: 0.0.44.dev20260713+nightly
codegen_flags: <defaults>
</compile_context>

<pallas_src>
import jax
import jax.numpy as jnp
from jax import lax
from jax.experimental import pallas as pl
from jax.experimental.pallas import tpu as pltpu
from jax.experimental.pallas import tpu_sc as plsc

N = 10000
E = 320000
D = 128
H = D // 2
G = 64
O = 8
NC = 2
NS = 16
NW = NC * NS
CW = 128
EPAD = 327680
DEG_CHUNKS = EPAD // (NW * CW)
ACC_CHUNKS = EPAD // (NS * CW)
SLAB = 640
NPAD = NS * SLAB
BLK = 2048


def _mesh():
    return plsc.VectorSubcoreMesh(
        core_axis_name="c", subcore_axis_name="s", num_cores=NC,
        num_subcores=NS)


def _deg_body(dst_hbm, out_hbm, dst_v, ones_v, zb_v, deg_sh, sem):
    c = lax.axis_index("c")
    s = lax.axis_index("s")
    wid = s * NC + c
    for k in range(8):
        ones_v[pl.ds(k * 16, 16)] = jnp.ones((16,), jnp.float32)
    for k in range(SLAB // 16):
        zb_v[pl.ds(k * 16, 16)] = jnp.zeros((16,), jnp.float32)
    pltpu.sync_copy(zb_v, deg_sh.at[pl.ds(s * SLAB, SLAB)])
    plsc.subcore_barrier()
    pltpu.sync_copy(dst_hbm.at[wid], dst_v)

    def step(i, carry):
        pltpu.async_copy(ones_v, deg_sh.at[dst_v.at[i]], sem, add=True)
        return carry

    lax.fori_loop(0, DEG_CHUNKS, step, 0)

    def drain(i, carry):
        pltpu.make_async_copy(ones_v, deg_sh.at[dst_v.at[i]], sem).wait()
        return carry

    lax.fori_loop(0, DEG_CHUNKS, drain, 0)
    plsc.subcore_barrier()
    pltpu.sync_copy(deg_sh.at[pl.ds(s * SLAB, SLAB)],
                    out_hbm.at[c, pl.ds(s * SLAB, SLAB)])


def _deg_call(dst3):
    k = pl.kernel(
        _deg_body,
        out_type=jax.ShapeDtypeStruct((NC, NPAD), jnp.float32),
        mesh=_mesh(),
        scratch_types=[
            pltpu.VMEM((DEG_CHUNKS, CW), jnp.int32),
            pltpu.VMEM((128,), jnp.float32),
            pltpu.VMEM((SLAB,), jnp.float32),
            pltpu.VMEM_SHARED((NPAD,), jnp.float32),
            pltpu.SemaphoreType.DMA,
        ],
        compiler_params=pltpu.CompilerParams(use_tc_tiling_on_sc=False),
    )
    return k(dst3)


def _dinv_col(deg_ref):
    d = deg_ref[0] + deg_ref[1] + 1.0
    t = lax.transpose(lax.rsqrt(d), (1, 0))
    return jnp.concatenate([t[:, r:r + 1] for r in range(BLK // 128)], axis=0)


def _kb_body(deg_ref, x_ref, w_ref, y_ref):
    dcol = _dinv_col(deg_ref)
    y = (jnp.dot(x_ref[...], w_ref[...],
                 preferred_element_type=jnp.float32) * dcol
         ).astype(jnp.bfloat16)
    y_ref[0] = y[:, :H]
    y_ref[1] = y[:, H:]


def _kb_call(deg3, x, W1):
    return pl.pallas_call(
        _kb_body,
        grid=(NPAD // BLK,),
        in_specs=[
            pl.BlockSpec((NC, BLK // 128, 128), lambda i: (0, i, 0)),
            pl.BlockSpec((BLK, D), lambda i: (i, 0)),
            pl.BlockSpec((D, D), lambda i: (0, 0)),
        ],
        out_specs=pl.BlockSpec((NC, BLK, H), lambda i: (0, i, 0)),
        out_shape=jax.ShapeDtypeStruct((NC, N, H), jnp.bfloat16),
    )(deg3, x, W1)


NB = 8


def _acc_body(src_hbm, dst_hbm, y_hbm, out_hbm, src_v, dst_v, rows0, rows1,
              rows2, rows3, rows4, rows5, rows6, rows7, zb_v, acc_sh,
              sem0, sem1, sem2, sem3, sem4, sem5, sem6, sem7):
    c = lax.axis_index("c")
    s = lax.axis_index("s")
    bufs = (rows0, rows1, rows2, rows3, rows4, rows5, rows6, rows7)
    sems = (sem0, sem1, sem2, sem3, sem4, sem5, sem6, sem7)

    @pl.when(s < NS - 1)
    def _():
        pltpu.sync_copy(y_hbm.at[c, pl.ds(s * SLAB, SLAB)],
                        acc_sh.at[pl.ds(s * SLAB, SLAB)])

    @pl.when(s == NS - 1)
    def _():
        last = N - (NS - 1) * SLAB
        pltpu.sync_copy(y_hbm.at[c, pl.ds((NS - 1) * SLAB, last)],
                        acc_sh.at[pl.ds((NS - 1) * SLAB, last)])

        def zrow(r, carry):
            for k in range(H // 32):
                zb_v[r, pl.ds(k * 32, 32)] = jnp.zeros((32,), jnp.bfloat16)
            return carry

        lax.fori_loop(0, 128, zrow, 0)
        pltpu.sync_copy(zb_v, acc_sh.at[pl.ds(N, 128)])
        pltpu.sync_copy(zb_v.at[pl.ds(0, NPAD - N - 128)],
                        acc_sh.at[pl.ds(N + 128, NPAD - N - 128)])

    plsc.subcore_barrier()
    pltpu.sync_copy(src_hbm.at[s], src_v)
    pltpu.sync_copy(dst_hbm.at[s], dst_v)

    for b in range(NB):
        pltpu.async_copy(y_hbm.at[c].at[src_v.at[b]], bufs[b], sems[b])

    def step(p, carry):
        base = p * NB
        for b in range(NB):
            j = base + b
            pltpu.make_async_copy(y_hbm.at[c].at[src_v.at[j]], bufs[b],
                                  sems[b]).wait()
            pltpu.sync_copy(bufs[b], acc_sh.at[dst_v.at[j]], add=True)

            @pl.when(j + NB < ACC_CHUNKS)
            def _():
                pltpu.async_copy(y_hbm.at[c].at[src_v.at[j + NB]], bufs[b],
                                 sems[b])
        return carry

    lax.fori_loop(0, ACC_CHUNKS // NB, step, 0)
    plsc.subcore_barrier()
    pltpu.sync_copy(acc_sh.at[pl.ds(s * SLAB, SLAB)],
                    out_hbm.at[c, pl.ds(s * SLAB, SLAB)])


def _acc_call(src3, dst3, y2):
    k = pl.kernel(
        _acc_body,
        out_type=jax.ShapeDtypeStruct((NC, NPAD, H), jnp.bfloat16),
        mesh=_mesh(),
        scratch_types=(
            [pltpu.VMEM((ACC_CHUNKS, CW), jnp.int32)] * 2
            + [pltpu.VMEM((CW, H), jnp.bfloat16)] * NB
            + [pltpu.VMEM((128, H), jnp.bfloat16),
               pltpu.VMEM_SHARED((NPAD, H), jnp.bfloat16)]
            + [pltpu.SemaphoreType.DMA] * NB
        ),
        compiler_params=pltpu.CompilerParams(use_tc_tiling_on_sc=False),
    )
    return k(src3, dst3, y2)


def _ke_body(acc_ref, deg_ref, batch_ref, b1_ref, w2_ref, b2_ref,
             out_ref, sums_a, sums_b, cnt_ref):
    i = pl.program_id(0)

    @pl.when(i == 0)
    def _():
        sums_a[...] = jnp.zeros_like(sums_a)
        sums_b[...] = jnp.zeros_like(sums_b)
        cnt_ref[...] = jnp.zeros_like(cnt_ref)

    dcol = _dinv_col(deg_ref)
    ha = jnp.maximum(acc_ref[0].astype(jnp.float32) * dcol + b1_ref[0], 0.0)
    hb = jnp.maximum(acc_ref[1].astype(jnp.float32) * dcol + b1_ref[1], 0.0)
    onehot_t = (lax.broadcasted_iota(jnp.int32, (G, BLK), 0)
                == batch_ref[0]).astype(jnp.float32)
    dn = (((1,), (0,)), ((), ()))
    sums_a[...] += lax.dot_general(onehot_t, ha, dn,
                                   preferred_element_type=jnp.float32)
    sums_b[...] += lax.dot_general(onehot_t, hb, dn,
                                   preferred_element_type=jnp.float32)
    cnt_ref[...] += lax.dot_general(onehot_t, jnp.ones((BLK, 1), jnp.float32),
                                    dn, preferred_element_type=jnp.float32)

    @pl.when(i == pl.num_programs(0) - 1)
    def _():
        inv_n = 1.0 / jnp.maximum(cnt_ref[...], 1.0)
        out_ref[...] = (
            jnp.dot(sums_a[...] * inv_n, w2_ref[0],
                    preferred_element_type=jnp.float32)
            + jnp.dot(sums_b[...] * inv_n, w2_ref[1],
                      preferred_element_type=jnp.float32)
            + b2_ref[...])


def _ke_call(acc, deg3, batch3, b1r, W2r, b2r):
    return pl.pallas_call(
        _ke_body,
        grid=(NPAD // BLK,),
        in_specs=[
            pl.BlockSpec((NC, BLK, H), lambda i: (0, i, 0)),
            pl.BlockSpec((NC, BLK // 128, 128), lambda i: (0, i, 0)),
            pl.BlockSpec((1, 1, BLK), lambda i: (i, 0, 0)),
            pl.BlockSpec((NC, 1, H), lambda i: (0, 0, 0)),
            pl.BlockSpec((NC, H, O), lambda i: (0, 0, 0)),
            pl.BlockSpec((1, O), lambda i: (0, 0)),
        ],
        out_specs=pl.BlockSpec((G, O), lambda i: (0, 0)),
        out_shape=jax.ShapeDtypeStruct((G, O), jnp.float32),
        scratch_shapes=[
            pltpu.VMEM((G, H), jnp.float32),
            pltpu.VMEM((G, H), jnp.float32),
            pltpu.VMEM((G, 1), jnp.float32),
        ],
    )(acc, deg3, batch3, b1r, W2r, b2r)


def kernel(x, edge_index, batch, W1, b1, W2, b2):
    npad_e = EPAD - E
    pad_i = jnp.arange(npad_e, dtype=jnp.int32)
    ei = jnp.concatenate(
        [edge_index.astype(jnp.int32),
         jnp.stack([(pad_i * 37) % N, N + pad_i % (NPAD - N)])], axis=1)
    src = ei[0]
    dst = ei[1]
    dst_deg = dst.reshape(NW, DEG_CHUNKS, CW)
    src_acc = src.reshape(NS, ACC_CHUNKS, CW)
    dst_acc = dst.reshape(NS, ACC_CHUNKS, CW)
    degp = _deg_call(dst_deg)
    deg3 = degp.reshape(NC, NPAD // 128, 128)
    y2 = _kb_call(deg3, x, W1)
    acc = _acc_call(src_acc, dst_acc, y2)
    batch_pad = jnp.full((NPAD - N,), G, dtype=jnp.int32)
    batch3 = jnp.concatenate([batch.astype(jnp.int32), batch_pad])
    return _ke_call(acc, deg3,
                    batch3.reshape(NPAD // BLK, 1, BLK),
                    b1.reshape(NC, 1, H), W2.reshape(NC, H, O),
                    b2.reshape(1, O))

# --- scband reference (transcript-rebuilt; emitter-appended) ---
"""Pipeline reference for scband-gnntransformer-73263552135827 (READ-ONLY COPY).

The authoritative reference and input builder live on the scoring server;
editing this copy changes nothing except your own understanding.
"""

import jax, jax.numpy as jnp
import numpy as np

N_NODES = 10000
N_EDGES = 320000
IN_CH = 128
HID_CH = 128
OUT_CH = 8
N_GRAPHS = 64


def setup_inputs(seed: int = 0) -> dict:
    key = jax.random.key(seed)
    k1, k2, k3, k4, k5 = jax.random.split(key, 5)
    x = jax.random.normal(k1, (N_NODES, IN_CH), dtype=jnp.float32)
    edge_index = jax.random.randint(k2, (2, N_EDGES), 0, N_NODES)
    batch = jnp.sort(jax.random.randint(k3, (N_NODES,), 0, N_GRAPHS))
    W1 = jax.random.normal(k4, (IN_CH, HID_CH), dtype=jnp.float32) * 0.05
    b1 = jnp.zeros((HID_CH,), dtype=jnp.float32)
    W2 = jax.random.normal(k5, (HID_CH, OUT_CH), dtype=jnp.float32) * 0.05
    b2 = jnp.zeros((OUT_CH,), dtype=jnp.float32)
    return {"x": x, "edge_index": edge_index, "batch": batch,
            "W1": W1, "b1": b1, "W2": W2, "b2": b2}


def reference(x, edge_index, batch, W1, b1, W2, b2):
    num_nodes = x.shape[0]
    # --- GCNConv: add self loops + symmetric normalization ---
    loop = jnp.arange(num_nodes, dtype=edge_index.dtype)
    src = jnp.concatenate([edge_index[0], loop])
    dst = jnp.concatenate([edge_index[1], loop])
    deg = jnp.zeros((num_nodes,), dtype=x.dtype).at[dst].add(1.0)
    dinv = jnp.where(deg > 0, 1.0 / jnp.sqrt(deg), 0.0)
    norm = dinv[src] * dinv[dst]
    xw = x @ W1
    msg = xw[src] * norm[:, None]
    h = jnp.zeros((num_nodes, W1.shape[1]), dtype=x.dtype).at[dst].add(msg) + b1
    # --- ReLU ---
    h = jax.nn.relu(h)
    # --- global_mean_pool over batch segment ids ---
    sums = jax.ops.segment_sum(h, batch, num_segments=N_GRAPHS)
    counts = jax.ops.segment_sum(jnp.ones((num_nodes,), dtype=x.dtype), batch, num_segments=N_GRAPHS)
    pooled = sums / jnp.clip(counts, 1.0)[:, None]
    # --- final Linear ---
    return pooled @ W2 + b2

if __name__ == "__main__":
    import jax
    _d = setup_inputs()
    print(jax.jit(kernel)(*tuple(_d.values())))

</pallas_src>

<mosaic_0001>
#map = affine_map<(d0, d1) -> (0, 0, 0)>
#map1 = affine_map<(d0, d1) -> (0, 0)>
module attributes {stable_mosaic.version = 14 : i64} {
  func.func @_deg_body(%arg0: i32, %arg1: i32, %arg2: memref<32x80x128xi32, #tpu.memory_space<hbm>>, %arg3: memref<2x10240xf32, #tpu.memory_space<hbm>>, %arg4: memref<80x128xi32, #tpu.memory_space<vmem>>, %arg5: memref<128xf32, #tpu.memory_space<vmem>>, %arg6: memref<640xf32, #tpu.memory_space<vmem>>, %arg7: memref<10240xf32, #tpu.memory_space<vmem_shared>>, %arg8: memref<!tpu.dma_semaphore, #tpu.memory_space<semaphore_mem>>) attributes {dimension_semantics = [#tpu.dimension_semantics<core_parallel>, #tpu.dimension_semantics<subcore_parallel>], iteration_bounds = array<i64: 2, 16>, scalar_prefetch = 0 : i64, scratch_operands = 5 : i64, tpu.core_type = #tpu.core_type<sc_vector_subcore>, window_params = [{transform_indices = #map}, {transform_indices = #map1}]} {
    %mul3A = arith.constant 2 : i32
    %mul3A_0 = arith.muli %arg1, %mul3A : i32
    %add3A = arith.addi %mul3A_0, %arg0 : i32
    %broadcast_in_dim3A = arith.constant 1.000000e+00 : f32
    %broadcast_in_dim3A_1 = vector.broadcast %broadcast_in_dim3A : f32 to vector<16xf32>
    %swap3A = arith.constant 0 : index
    %swap3A_2 = tpu.vector_load %arg5[%swap3A] {strides = array<i32>} : memref<128xf32, #tpu.memory_space<vmem>>, vector<16xf32>,
    %swap3A_3 = vector.shape_cast %swap3A_2 : vector<16xf32> to vector<16xf32>
    %swap3A_4 = vector.shape_cast %broadcast_in_dim3A_1 : vector<16xf32> to vector<16xf32>
    tpu.vector_store %arg5[%swap3A], %swap3A_4 {strides = array<i32>} : memref<128xf32, #tpu.memory_space<vmem>>, vector<16xf32>,
    %broadcast_in_dim3A_5 = arith.constant 1.000000e+00 : f32
    %broadcast_in_dim3A_6 = vector.broadcast %broadcast_in_dim3A_5 : f32 to vector<16xf32>
    %swap3A_7 = arith.constant 16 : index
    %swap3A_8 = tpu.vector_load %arg5[%swap3A_7] {strides = array<i32>} : memref<128xf32, #tpu.memory_space<vmem>>, vector<16xf32>,
    %swap3A_9 = vector.shape_cast %swap3A_8 : vector<16xf32> to vector<16xf32>
    %swap3A_10 = vector.shape_cast %broadcast_in_dim3A_6 : vector<16xf32> to vector<16xf32>
    tpu.vector_store %arg5[%swap3A_7], %swap3A_10 {strides = array<i32>} : memref<128xf32, #tpu.memory_space<vmem>>, vector<16xf32>,
    %broadcast_in_dim3A_11 = arith.constant 1.000000e+00 : f32
    %broadcast_in_dim3A_12 = vector.broadcast %broadcast_in_dim3A_11 : f32 to vector<16xf32>
    %swap3A_13 = arith.constant 32 : index
    %swap3A_14 = tpu.vector_load %arg5[%swap3A_13] {strides = array<i32>} : memref<128xf32, #tpu.memory_space<vmem>>, vector<16xf32>,
    %swap3A_15 = vector.shape_cast %swap3A_14 : vector<16xf32> to vector<16xf32>
    %swap3A_16 = vector.shape_cast %broadcast_in_dim3A_12 : vector<16xf32> to vector<16xf32>
    tpu.vector_store %arg5[%swap3A_13], %swap3A_16 {strides = array<i32>} : memref<128xf32, #tpu.memory_space<vmem>>, vector<16xf32>,
    %broadcast_in_dim3A_17 = arith.constant 1.000000e+00 : f32
    %broadcast_in_dim3A_18 = vector.broadcast %broadcast_in_dim3A_17 : f32 to vector<16xf32>
    %swap3A_19 = arith.constant 48 : index
    %swap3A_20 = tpu.vector_load %arg5[%swap3A_19] {strides = array<i32>} : memref<128xf32, #tpu.memory_space<vmem>>, vector<16xf32>,
    %swap3A_21 = vector.shape_cast %swap3A_20 : vector<16xf32> to vector<16xf32>
    %swap3A_22 = vector.shape_cast %broadcast_in_dim3A_18 : vector<16xf32> to vector<16xf32>
    tpu.vector_store %arg5[%swap3A_19], %swap3A_22 {strides = array<i32>} : memref<128xf32, #tpu.memory_space<vmem>>, vector<16xf32>,
    %broadcast_in_dim3A_23 = arith.constant 1.000000e+00 : f32
    %broadcast_in_dim3A_24 = vector.broadcast %broadcast_in_dim3A_23 : f32 to vector<16xf32>
    %swap3A_25 = arith.constant 64 : index
    %swap3A_26 = tpu.vector_load %arg5[%swap3A_25] {strides = array<i32>} : memref<128xf32, #tpu.memory_space<vmem>>, vector<16xf32>,
    %swap3A_27 = vector.shape_cast %swap3A_26 : vector<16xf32> to vector<16xf32>
    %swap3A_28 = vector.shape_cast %broadcast_in_dim3A_24 : vector<16xf32> to vector<16xf32>
    tpu.vector_store %arg5[%swap3A_25], %swap3A_28 {strides = array<i32>} : memref<128xf32, #tpu.memory_space<vmem>>, vector<16xf32>,
    %broadcast_in_dim3A_29 = arith.constant 1.000000e+00 : f32
    %broadcast_in_dim3A_30 = vector.broadcast %broadcast_in_dim3A_29 : f32 to vector<16xf32>
    %swap3A_31 = arith.constant 80 : index
    %swap3A_32 = tpu.vector_load %arg5[%swap3A_31] {strides = array<i32>} : memref<128xf32, #tpu.memory_space<vmem>>, vector<16xf32>,
    %swap3A_33 = vector.shape_cast %swap3A_32 : vector<16xf32> to vector<16xf32>
    %swap3A_34 = vector.shape_cast %broadcast_in_dim3A_30 : vector<16xf32> to vector<16xf32>
    tpu.vector_store %arg5[%swap3A_31], %swap3A_34 {strides = array<i32>} : memref<128xf32, #tpu.memory_space<vmem>>, vector<16xf32>,
    %broadcast_in_dim3A_35 = arith.constant 1.000000e+00 : f32
    %broadcast_in_dim3A_36 = vector.broadcast %broadcast_in_dim3A_35 : f32 to vector<16xf32>
    %swap3A_37 = arith.constant 96 : index
    %swap3A_38 = tpu.vector_load %arg5[%swap3A_37] {strides = array<i32>} : memref<128xf32, #tpu.memory_space<vmem>>, vector<16xf32>,
    %swap3A_39 = vector.shape_cast %swap3A_38 : vector<16xf32> to vector<16xf32>
    %swap3A_40 = vector.shape_cast %broadcast_in_dim3A_36 : vector<16xf32> to vector<16xf32>
    tpu.vector_store %arg5[%swap3A_37], %swap3A_40 {strides = array<i32>} : memref<128xf32, #tpu.memory_space<vmem>>, vector<16xf32>,
    %broadcast_in_dim3A_41 = arith.constant 1.000000e+00 : f32
    %broadcast_in_dim3A_42 = vector.broadcast %broadcast_in_dim3A_41 : f32 to vector<16xf32>
    %swap3A_43 = arith.constant 112 : index
    %swap3A_44 = tpu.vector_load %arg5[%swap3A_43] {strides = array<i32>} : memref<128xf32, #tpu.memory_space<vmem>>, vector<16xf32>,
    %swap3A_45 = vector.shape_cast %swap3A_44 : vector<16xf32> to vector<16xf32>
    %swap3A_46 = vector.shape_cast %broadcast_in_dim3A_42 : vector<16xf32> to vector<16xf32>
    tpu.vector_store %arg5[%swap3A_43], %swap3A_46 {strides = array<i32>} : memref<128xf32, #tpu.memory_space<vmem>>, vector<16xf32>,
    %broadcast_in_dim3A_47 = arith.constant 0.000000e+00 : f32
    %broadcast_in_dim3A_48 = vector.broadcast %broadcast_in_dim3A_47 : f32 to vector<16xf32>
    %swap3A_49 = arith.constant 0 : index
    %swap3A_50 = tpu.vector_load %arg6[%swap3A_49] {strides = array<i32>} : memref<640xf32, #tpu.memory_space<vmem>>, vector<16xf32>,
    %swap3A_51 = vector.shape_cast %swap3A_50 : vector<16xf32> to vector<16xf32>
    %swap3A_52 = vector.shape_cast %broadcast_in_dim3A_48 : vector<16xf32> to vector<16xf32>
    tpu.vector_store %arg6[%swap3A_49], %swap3A_52 {strides = array<i32>} : memref<640xf32, #tpu.memory_space<vmem>>, vector<16xf32>,
    %broadcast_in_dim3A_53 = arith.constant 0.000000e+00 : f32
    %broadcast_in_dim3A_54 = vector.broadcast %broadcast_in_dim3A_53 : f32 to vector<16xf32>
    %swap3A_55 = arith.constant 16 : index
    %swap3A_56 = tpu.vector_load %arg6[%swap3A_55] {strides = array<i32>} : memref<640xf32, #tpu.memory_space<vmem>>, vector<16xf32>,
    %swap3A_57 = vector.shape_cast %swap3A_56 : vector<16xf32> to vector<16xf32>
    %swap3A_58 = vector.shape_cast %broadcast_in_dim3A_54 : vector<16xf32> to vector<16xf32>
    tpu.vector_store %arg6[%swap3A_55], %swap3A_58 {strides = array<i32>} : memref<640xf32, #tpu.memory_space<vmem>>, vector<16xf32>,
    %broadcast_in_dim3A_59 = arith.constant 0.000000e+00 : f32
    %broadcast_in_dim3A_60 = vector.broadcast %broadcast_in_dim3A_59 : f32 to vector<16xf32>
    %swap3A_61 = arith.constant 32 : index
    %swap3A_62 = tpu.vector_load %arg6[%swap3A_61] {strides = array<i32>} : memref<640xf32, #tpu.memory_space<vmem>>, vector<16xf32>,
    %swap3A_63 = vector.shape_cast %swap3A_62 : vector<16xf32> to vector<16xf32>
    %swap3A_64 = vector.shape_cast %broadcast_in_dim3A_60 : vector<16xf32> to vector<16xf32>
    tpu.vector_store %arg6[%swap3A_61], %swap3A_64 {strides = array<i32>} : memref<640xf32, #tpu.memory_space<vmem>>, vector<16xf32>,
    %broadcast_in_dim3A_65 = arith.constant 0.000000e+00 : f32
    %broadcast_in_dim3A_66 = vector.broadcast %broadcast_in_dim3A_65 : f32 to vector<16xf32>
    %swap3A_67 = arith.constant 48 : index
    %swap3A_68 = tpu.vector_load %arg6[%swap3A_67] {strides = array<i32>} : memref<640xf32, #tpu.memory_space<vmem>>, vector<16xf32>,
    %swap3A_69 = vector.shape_cast %swap3A_68 : vector<16xf32> to vector<16xf32>
    %swap3A_70 = vector.shape_cast %broadcast_in_dim3A_66 : vector<16xf32> to vector<16xf32>
    tpu.vector_store %arg6[%swap3A_67], %swap3A_70 {strides = array<i32>} : memref<640xf32, #tpu.memory_space<vmem>>, vector<16xf32>,
    %broadcast_in_dim3A_71 = arith.constant 0.000000e+00 : f32
    %broadcast_in_dim3A_72 = vector.broadcast %broadcast_in_dim3A_71 : f32 to vector<16xf32>
    %swap3A_73 = arith.constant 64 : index
    %swap3A_74 = tpu.vector_load %arg6[%swap3A_73] {strides = array<i32>} : memref<640xf32, #tpu.memory_space<vmem>>, vector<16xf32>,
    %swap3A_75 = vector.shape_cast %swap3A_74 : vector<16xf32> to vector<16xf32>
    %swap3A_76 = vector.shape_cast %broadcast_in_dim3A_72 : vector<16xf32> to vector<16xf32>
    tpu.vector_store %arg6[%swap3A_73], %swap3A_76 {strides = array<i32>} : memref<640xf32, #tpu.memory_space<vmem>>, vector<16xf32>,
    %broadcast_in_dim3A_77 = arith.constant 0.000000e+00 : f32
    %broadcast_in_dim3A_78 = vector.broadcast %broadcast_in_dim3A_77 : f32 to vector<16xf32>
    %swap3A_79 = arith.constant 80 : index
    %swap3A_80 = tpu.vector_load %arg6[%swap3A_79] {strides = array<i32>} : memref<640xf32, #tpu.memory_space<vmem>>, vector<16xf32>,
    %swap3A_81 = vector.shape_cast %swap3A_80 : vector<16xf32> to vector<16xf32>
    %swap3A_82 = vector.shape_cast %broadcast_in_dim3A_78 : vector<16xf32> to vector<16xf32>
    tpu.vector_store %arg6[%swap3A_79], %swap3A_82 {strides = array<i32>} : memref<640xf32, #tpu.memory_space<vmem>>, vector<16xf32>,
    %broadcast_in_dim3A_83 = arith.constant 0.000000e+00 : f32
    %broadcast_in_dim3A_84 = vector.broadcast %broadcast_in_dim3A_83 : f32 to vector<16xf32>
    %swap3A_85 = arith.constant 96 : index
    %swap3A_86 = tpu.vector_load %arg6[%swap3A_85] {strides = array<i32>} : memref<640xf32, #tpu.memory_space<vmem>>, vector<16xf32>,
    %swap3A_87 = vector.shape_cast %swap3A_86 : vector<16xf32> to vector<16xf32>
    %swap3A_88 = vector.shape_cast %broadcast_in_dim3A_84 : vector<16xf32> to vector<16xf32>
    tpu.vector_store %arg6[%swap3A_85], %swap3A_88 {strides = array<i32>} : memref<640xf32, #tpu.memory_space<vmem>>, vector<16xf32>,
    %broadcast_in_dim3A_89 = arith.constant 0.000000e+00 : f32
    %broadcast_in_dim3A_90 = vector.broadcast %broadcast_in_dim3A_89 : f32 to vector<16xf32>
    %swap3A_91 = arith.constant 112 : index
    %swap3A_92 = tpu.vector_load %arg6[%swap3A_91] {strides = array<i32>} : memref<640xf32, #tpu.memory_space<vmem>>, vector<16xf32>,
    %swap3A_93 = vector.shape_cast %swap3A_92 : vector<16xf32> to vector<16xf32>
    %swap3A_94 = vector.shape_cast %broadcast_in_dim3A_90 : vector<16xf32> to vector<16xf32>
    tpu.vector_store %arg6[%swap3A_91], %swap3A_94 {strides = array<i32>} : memref<640xf32, #tpu.memory_space<vmem>>, vector<16xf32>,
    %broadcast_in_dim3A_95 = arith.constant 0.000000e+00 : f32
    %broadcast_in_dim3A_96 = vector.broadcast %broadcast_in_dim3A_95 : f32 to vector<16xf32>
    %swap3A_97 = arith.constant 128 : index
    %swap3A_98 = tpu.vector_load %arg6[%swap3A_97] {strides = array<i32>} : memref<640xf32, #tpu.memory_space<vmem>>, vector<16xf32>,
    %swap3A_99 = vector.shape_cast %swap3A_98 : vector<16xf32> to vector<16xf32>
    %swap3A_100 = vector.shape_cast %broadcast_in_dim3A_96 : vector<16xf32> to vector<16xf32>
    tpu.vector_store %arg6[%swap3A_97], %swap3A_100 {strides = array<i32>} : memref<640xf32, #tpu.memory_space<vmem>>, vector<16xf32>,
    %broadcast_in_dim3A_101 = arith.constant 0.000000e+00 : f32
    %broadcast_in_dim3A_102 = vector.broadcast %broadcast_in_dim3A_101 : f32 to vector<16xf32>
    %swap3A_103 = arith.constant 144 : index
    %swap3A_104 = tpu.vector_load %arg6[%swap3A_103] {strides = array<i32>} : memref<640xf32, #tpu.memory_space<vmem>>, vector<16xf32>,
    %swap3A_105 = vector.shape_cast %swap3A_104 : vector<16xf32> to vector<16xf32>
    %swap3A_106 = vector.shape_cast %broadcast_in_dim3A_102 : vector<16xf32> to vector<16xf32>
    tpu.vector_store %arg6[%swap3A_103], %swap3A_106 {strides = array<i32>} : memref<640xf32, #tpu.memory_space<vmem>>, vector<16xf32>,
    %broadcast_in_dim3A_107 = arith.constant 0.000000e+00 : f32
    %broadcast_in_dim3A_108 = vector.broadcast %broadcast_in_dim3A_107 : f32 to vector<16xf32>
    %swap3A_109 = arith.constant 160 : index
    %swap3A_110 = tpu.vector_load %arg6[%swap3A_109] {strides = array<i32>} : memref<640xf32, #tpu.memory_space<vmem>>, vector<16xf32>,
    %swap3A_111 = vector.shape_cast %swap3A_110 : vector<16xf32> to vector<16xf32>
    %swap3A_112 = vector.shape_cast %broadcast_in_dim3A_108 : vector<16xf32> to vector<16xf32>
    tpu.vector_store %arg6[%swap3A_109], %swap3A_112 {strides = array<i32>} : memref<640xf32, #tpu.memory_space<vmem>>, vector<16xf32>,
    %broadcast_in_dim3A_113 = arith.constant 0.000000e+00 : f32
    %broadcast_in_dim3A_114 = vector.broadcast %broadcast_in_dim3A_113 : f32 to vector<16xf32>
    %swap3A_115 = arith.constant 176 : index
    %swap3A_116 = tpu.vector_load %arg6[%swap3A_115] {strides = array<i32>} : memref<640xf32, #tpu.memory_space<vmem>>, vector<16xf32>,
    %swap3A_117 = vector.shape_cast %swap3A_116 : vector<16xf32> to vector<16xf32>
    %swap3A_118 = vector.shape_cast %broadcast_in_dim3A_114 : vector<16xf32> to vector<16xf32>
    tpu.vector_store %arg6[%swap3A_115], %swap3A_118 {strides = array<i32>} : memref<640xf32, #tpu.memory_space<vmem>>, vector<16xf32>,
    %broadcast_in_dim3A_119 = arith.constant 0.000000e+00 : f32
    %broadcast_in_dim3A_120 = vector.broadcast %broadcast_in_dim3A_119 : f32 to vector<16xf32>
    %swap3A_121 = arith.constant 192 : index
    %swap3A_122 = tpu.vector_load %arg6[%swap3A_121] {strides = array<i32>} : memref<640xf32, #tpu.memory_space<vmem>>, vector<16xf32>,
    %swap3A_123 = vector.shape_cast %swap3A_122 : vector<16xf32> to vector<16xf32>
    %swap3A_124 = vector.shape_cast %broadcast_in_dim3A_120 : vector<16xf32> to vector<16xf32>
    tpu.vector_store %arg6[%swap3A_121], %swap3A_124 {strides = array<i32>} : memref<640xf32, #tpu.memory_space<vmem>>, vector<16xf32>,
    %broadcast_in_dim3A_125 = arith.constant 0.000000e+00 : f32
    %broadcast_in_dim3A_126 = vector.broadcast %broadcast_in_dim3A_125 : f32 to vector<16xf32>
    %swap3A_127 = arith.constant 208 : index
    %swap3A_128 = tpu.vector_load %arg6[%swap3A_127] {strides = array<i32>} : memref<640xf32, #tpu.memory_space<vmem>>, vector<16xf32>,
    %swap3A_129 = vector.shape_cast %swap3A_128 : vector<16xf32> to vector<16xf32>
    %swap3A_130 = vector.shape_cast %broadcast_in_dim3A_126 : vector<16xf32> to vector<16xf32>
    tpu.vector_store %arg6[%swap3A_127], %swap3A_130 {strides = array<i32>} : memref<640xf32, #tpu.memory_space<vmem>>, vector<16xf32>,
    %broadcast_in_dim3A_131 = arith.constant 0.000000e+00 : f32
    %broadcast_in_dim3A_132 = vector.broadcast %broadcast_in_dim3A_131 : f32 to vector<16xf32>
    %swap3A_133 = arith.constant 224 : index
    %swap3A_134 = tpu.vector_load %arg6[%swap3A_133] {strides = array<i32>} : memref<640xf32, #tpu.memory_space<vmem>>, vector<16xf32>,
    %swap3A_135 = vector.shape_cast %swap3A_134 : vector<16xf32> to vector<16xf32>
    %swap3A_136 = vector.shape_cast %broadcast_in_dim3A_132 : vector<16xf32> to vector<16xf32>
    tpu.vector_store %arg6[%swap3A_133], %swap3A_136 {strides = array<i32>} : memref<640xf32, #tpu.memory_space<vmem>>, vector<16xf32>,
    %broadcast_in_dim3A_137 = arith.constant 0.000000e+00 : f32
    %broadcast_in_dim3A_138 = vector.broadcast %broadcast_in_dim3A_137 : f32 to vector<16xf32>
    %swap3A_139 = arith.constant 240 : index
    %swap3A_140 = tpu.vector_load %arg6[%swap3A_139] {strides = array<i32>} : memref<640xf32, #tpu.memory_space<vmem>>, vector<16xf32>,
    %swap3A_141 = vector.shape_cast %swap3A_140 : vector<16xf32> to vector<16xf32>
    %swap3A_142 = vector.shape_cast %broadcast_in_dim3A_138 : vector<16xf32> to vector<16xf32>
    tpu.vector_store %arg6[%swap3A_139], %swap3A_142 {strides = array<i32>} : memref<640xf32, #tpu.memory_space<vmem>>, vector<16xf32>,
    %broadcast_in_dim3A_143 = arith.constant 0.000000e+00 : f32
    %broadcast_in_dim3A_144 = vector.broadcast %broadcast_in_dim3A_143 : f32 to vector<16xf32>
    %swap3A_145 = arith.constant 256 : index
    %swap3A_146 = tpu.vector_load %arg6[%swap3A_145] {strides = array<i32>} : memref<640xf32, #tpu.memory_space<vmem>>, vector<16xf32>,
    %swap3A_147 = vector.shape_cast %swap3A_146 : vector<16xf32> to vector<16xf32>
    %swap3A_148 = vector.shape_cast %broadcast_in_dim3A_144 : vector<16xf32> to vector<16xf32>
    tpu.vector_store %arg6[%swap3A_145], %swap3A_148 {strides = array<i32>} : memref<640xf32, #tpu.memory_space<vmem>>, vector<16xf32>,
    %broadcast_in_dim3A_149 = arith.constant 0.000000e+00 : f32
    %broadcast_in_dim3A_150 = vector.broadcast %broadcast_in_dim3A_149 : f32 to vector<16xf32>
    %swap3A_151 = arith.constant 272 : index
    %swap3A_152 = tpu.vector_load %arg6[%swap3A_151] {strides = array<i32>} : memref<640xf32, #tpu.memory_space<vmem>>, vector<16xf32>,
    %swap3A_153 = vector.shape_cast %swap3A_152 : vector<16xf32> to vector<16xf32>
    %swap3A_154 = vector.shape_cast %broadcast_in_dim3A_150 : vector<16xf32> to vector<16xf32>
    tpu.vector_store %arg6[%swap3A_151], %swap3A_154 {strides = array<i32>} : memref<640xf32, #tpu.memory_space<vmem>>, vector<16xf32>,
    %broadcast_in_dim3A_155 = arith.constant 0.000000e+00 : f32
    %broadcast_in_dim3A_156 = vector.broadcast %broadcast_in_dim3A_155 : f32 to vector<16xf32>
    %swap3A_157 = arith.constant 288 : index
    %swap3A_158 = tpu.vector_load %arg6[%swap3A_157] {strides = array<i32>} : memref<640xf32, #tpu.memory_space<vmem>>, vector<16xf32>,
    %swap3A_159 = vector.shape_cast %swap3A_158 : vector<16xf32> to vector<16xf32>
    %swap3A_160 = vector.shape_cast %broadcast_in_dim3A_156 : vector<16xf32> to vector<16xf32>
    tpu.vector_store %arg6[%swap3A_157], %swap3A_160 {strides = array<i32>} : memref<640xf32, #tpu.memory_space<vmem>>, vector<16xf32>,
    %broadcast_in_dim3A_161 = arith.constant 0.000000e+00 : f32
    %broadcast_in_dim3A_162 = vector.broadcast %broadcast_in_dim3A_161 : f32 to vector<16xf32>
    %swap3A_163 = arith.constant 304 : index
    %swap3A_164 = tpu.vector_load %arg6[%swap3A_163] {strides = array<i32>} : memref<640xf32, #tpu.memory_space<vmem>>, vector<16xf32>,
    %swap3A_165 = vector.shape_cast %swap3A_164 : vector<16xf32> to vector<16xf32>
    %swap3A_166 = vector.shape_cast %broadcast_in_dim3A_162 : vector<16xf32> to vector<16xf32>
    tpu.vector_store %arg6[%swap3A_163], %swap3A_166 {strides = array<i32>} : memref<640xf32, #tpu.memory_space<vmem>>, vector<16xf32>,
    %broadcast_in_dim3A_167 = arith.constant 0.000000e+00 : f32
    %broadcast_in_dim3A_168 = vector.broadcast %broadcast_in_dim3A_167 : f32 to vector<16xf32>
    %swap3A_169 = arith.constant 320 : index
    %swap3A_170 = tpu.vector_load %arg6[%swap3A_169] {strides = array<i32>} : memref<640xf32, #tpu.memory_space<vmem>>, vector<16xf32>,
    %swap3A_171 = vector.shape_cast %swap3A_170 : vector<16xf32> to vector<16xf32>
    %swap3A_172 = vector.shape_cast %broadcast_in_dim3A_168 : vector<16xf32> to vector<16xf32>
    tpu.vector_store %arg6[%swap3A_169], %swap3A_172 {strides = array<i32>} : memref<640xf32, #tpu.memory_space<vmem>>, vector<16xf32>,
    %broadcast_in_dim3A_173 = arith.constant 0.000000e+00 : f32
    %broadcast_in_dim3A_174 = vector.broadcast %broadcast_in_dim3A_173 : f32 to vector<16xf32>
    %swap3A_175 = arith.constant 336 : index
    %swap3A_176 = tpu.vector_load %arg6[%swap3A_175] {strides = array<i32>} : memref<640xf32, #tpu.memory_space<vmem>>, vector<16xf32>,
    %swap3A_177 = vector.shape_cast %swap3A_176 : vector<16xf32> to vector<16xf32>
    %swap3A_178 = vector.shape_cast %broadcast_in_dim3A_174 : vector<16xf32> to vector<16xf32>
    tpu.vector_store %arg6[%swap3A_175], %swap3A_178 {strides = array<i32>} : memref<640xf32, #tpu.memory_space<vmem>>, vector<16xf32>,
    %broadcast_in_dim3A_179 = arith.constant 0.000000e+00 : f32
    %broadcast_in_dim3A_180 = vector.broadcast %broadcast_in_dim3A_179 : f32 to vector<16xf32>
    %swap3A_181 = arith.constant 352 : index
    %swap3A_182 = tpu.vector_load %arg6[%swap3A_181] {strides = array<i32>} : memref<640xf32, #tpu.memory_space<vmem>>, vector<16xf32>,
    %swap3A_183 = vector.shape_cast %swap3A_182 : vector<16xf32> to vector<16xf32>
    %swap3A_184 = vector.shape_cast %broadcast_in_dim3A_180 : vector<16xf32> to vector<16xf32>
    tpu.vector_store %arg6[%swap3A_181], %swap3A_184 {strides = array<i32>} : memref<640xf32, #tpu.memory_space<vmem>>, vector<16xf32>,
    %broadcast_in_dim3A_185 = arith.constant 0.000000e+00 : f32
    %broadcast_in_dim3A_186 = vector.broadcast %broadcast_in_dim3A_185 : f32 to vector<16xf32>
    %swap3A_187 = arith.constant 368 : index
    %swap3A_188 = tpu.vector_load %arg6[%swap3A_187] {strides = array<i32>} : memref<640xf32, #tpu.memory_space<vmem>>, vector<16xf32>,
    %swap3A_189 = vector.shape_cast %swap3A_188 : vector<16xf32> to vector<16xf32>
    %swap3A_190 = vector.shape_cast %broadcast_in_dim3A_186 : vector<16xf32> to vector<16xf32>
    tpu.vector_store %arg6[%swap3A_187], %swap3A_190 {strides = array<i32>} : memref<640xf32, #tpu.memory_space<vmem>>, vector<16xf32>,
    %broadcast_in_dim3A_191 = arith.constant 0.000000e+00 : f32
    %broadcast_in_dim3A_192 = vector.broadcast %broadcast_in_dim3A_191 : f32 to vector<16xf32>
    %swap3A_193 = arith.constant 384 : index
    %swap3A_194 = tpu.vector_load %arg6[%swap3A_193] {strides = array<i32>} : memref<640xf32, #tpu.memory_space<vmem>>, vector<16xf32>,
    %swap3A_195 = vector.shape_cast %swap3A_194 : vector<16xf32> to vector<16xf32>
    %swap3A_196 = vector.shape_cast %broadcast_in_dim3A_192 : vector<16xf32> to vector<16xf32>
    tpu.vector_store %arg6[%swap3A_193], %swap3A_196 {strides = array<i32>} : memref<640xf32, #tpu.memory_space<vmem>>, vector<16xf32>,
    %broadcast_in_dim3A_197 = arith.constant 0.000000e+00 : f32
    %broadcast_in_dim3A_198 = vector.broadcast %broadcast_in_dim3A_197 : f32 to vector<16xf32>
    %swap3A_199 = arith.constant 400 : index
    %swap3A_200 = tpu.vector_load %arg6[%swap3A_199] {strides = array<i32>} : memref<640xf32, #tpu.memory_space<vmem>>, vector<16xf32>,
    %swap3A_201 = vector.shape_cast %swap3A_200 : vector<16xf32> to vector<16xf32>
    %swap3A_202 = vector.shape_cast %broadcast_in_dim3A_198 : vector<16xf32> to vector<16xf32>
    tpu.vector_store %arg6[%swap3A_199], %swap3A_202 {strides = array<i32>} : memref<640xf32, #tpu.memory_space<vmem>>, vector<16xf32>,
    %broadcast_in_dim3A_203 = arith.constant 0.000000e+00 : f32
    %broadcast_in_dim3A_204 = vector.broadcast %broadcast_in_dim3A_203 : f32 to vector<16xf32>
    %swap3A_205 = arith.constant 416 : index
    %swap3A_206 = tpu.vector_load %arg6[%swap3A_205] {strides = array<i32>} : memref<640xf32, #tpu.memory_space<vmem>>, vector<16xf32>,
    %swap3A_207 = vector.shape_cast %swap3A_206 : vector<16xf32> to vector<16xf32>
    %swap3A_208 = vector.shape_cast %broadcast_in_dim3A_204 : vector<16xf32> to vector<16xf32>
    tpu.vector_store %arg6[%swap3A_205], %swap3A_208 {strides = array<i32>} : memref<640xf32, #tpu.memory_space<vmem>>, vector<16xf32>,
    %broadcast_in_dim3A_209 = arith.constant 0.000000e+00 : f32
    %broadcast_in_dim3A_210 = vector.broadcast %broadcast_in_dim3A_209 : f32 to vector<16xf32>
    %swap3A_211 = arith.constant 432 : index
    %swap3A_212 = tpu.vector_load %arg6[%swap3A_211] {strides = array<i32>} : memref<640xf32, #tpu.memory_space<vmem>>, vector<16xf32>,
    %swap3A_213 = vector.shape_cast %swap3A_212 : vector<16xf32> to vector<16xf32>
    %swap3A_214 = vector.shape_cast %broadcast_in_dim3A_210 : vector<16xf32> to vector<16xf32>
    tpu.vector_store %arg6[%swap3A_211], %swap3A_214 {strides = array<i32>} : memref<640xf32, #tpu.memory_space<vmem>>, vector<16xf32>,
    %broadcast_in_dim3A_215 = arith.constant 0.000000e+00 : f32
    %broadcast_in_dim3A_216 = vector.broadcast %broadcast_in_dim3A_215 : f32 to vector<16xf32>
    %swap3A_217 = arith.constant 448 : index
    %swap3A_218 = tpu.vector_load %arg6[%swap3A_217] {strides = array<i32>} : memref<640xf32, #tpu.memory_space<vmem>>, vector<16xf32>,
    %swap3A_219 = vector.shape_cast %swap3A_218 : vector<16xf32> to vector<16xf32>
    %swap3A_220 = vector.shape_cast %broadcast_in_dim3A_216 : vector<16xf32> to vector<16xf32>
    tpu.vector_store %arg6[%swap3A_217], %swap3A_220 {strides = array<i32>} : memref<640xf32, #tpu.memory_space<vmem>>, vector<16xf32>,
    %broadcast_in_dim3A_221 = arith.constant 0.000000e+00 : f32
    %broadcast_in_dim3A_222 = vector.broadcast %broadcast_in_dim3A_221 : f32 to vector<16xf32>
    %swap3A_223 = arith.constant 464 : index
    %swap3A_224 = tpu.vector_load %arg6[%swap3A_223] {strides = array<i32>} : memref<640xf32, #tpu.memory_space<vmem>>, vector<16xf32>,
    %swap3A_225 = vector.shape_cast %swap3A_224 : vector<16xf32> to vector<16xf32>
    %swap3A_226 = vector.shape_cast %broadcast_in_dim3A_222 : vector<16xf32> to vector<16xf32>
    tpu.vector_store %arg6[%swap3A_223], %swap3A_226 {strides = array<i32>} : memref<640xf32, #tpu.memory_space<vmem>>, vector<16xf32>,
    %broadcast_in_dim3A_227 = arith.constant 0.000000e+00 : f32
    %broadcast_in_dim3A_228 = vector.broadcast %broadcast_in_dim3A_227 : f32 to vector<16xf32>
    %swap3A_229 = arith.constant 480 : index
    %swap3A_230 = tpu.vector_load %arg6[%swap3A_229] {strides = array<i32>} : memref<640xf32, #tpu.memory_space<vmem>>, vector<16xf32>,
    %swap3A_231 = vector.shape_cast %swap3A_230 : vector<16xf32> to vector<16xf32>
    %swap3A_232 = vector.shape_cast %broadcast_in_dim3A_228 : vector<16xf32> to vector<16xf32>
    tpu.vector_store %arg6[%swap3A_229], %swap3A_232 {strides = array<i32>} : memref<640xf32, #tpu.memory_space<vmem>>, vector<16xf32>,
    %broadcast_in_dim3A_233 = arith.constant 0.000000e+00 : f32
    %broadcast_in_dim3A_234 = vector.broadcast %broadcast_in_dim3A_233 : f32 to vector<16xf32>
    %swap3A_235 = arith.constant 496 : index
    %swap3A_236 = tpu.vector_load %arg6[%swap3A_235] {strides = array<i32>} : memref<640xf32, #tpu.memory_space<vmem>>, vector<16xf32>,
    %swap3A_237 = vector.shape_cast %swap3A_236 : vector<16xf32> to vector<16xf32>
    %swap3A_238 = vector.shape_cast %broadcast_in_dim3A_234 : vector<16xf32> to vector<16xf32>
    tpu.vector_store %arg6[%swap3A_235], %swap3A_238 {strides = array<i32>} : memref<640xf32, #tpu.memory_space<vmem>>, vector<16xf32>,
    %broadcast_in_dim3A_239 = arith.constant 0.000000e+00 : f32
    %broadcast_in_dim3A_240 = vector.broadcast %broadcast_in_dim3A_239 : f32 to vector<16xf32>
    %swap3A_241 = arith.constant 512 : index
    %swap3A_242 = tpu.vector_load %arg6[%swap3A_241] {strides = array<i32>} : memref<640xf32, #tpu.memory_space<vmem>>, vector<16xf32>,
    %swap3A_243 = vector.shape_cast %swap3A_242 : vector<16xf32> to vector<16xf32>
    %swap3A_244 = vector.shape_cast %broadcast_in_dim3A_240 : vector<16xf32> to vector<16xf32>
    tpu.vector_store %arg6[%swap3A_241], %swap3A_244 {strides = array<i32>} : memref<640xf32, #tpu.memory_space<vmem>>, vector<16xf32>,
    %broadcast_in_dim3A_245 = arith.constant 0.000000e+00 : f32
    %broadcast_in_dim3A_246 = vector.broadcast %broadcast_in_dim3A_245 : f32 to vector<16xf32>
    %swap3A_247 = arith.constant 528 : index
    %swap3A_248 = tpu.vector_load %arg6[%swap3A_247] {strides = array<i32>} : memref<640xf32, #tpu.memory_space<vmem>>, vector<16xf32>,
    %swap3A_249 = vector.shape_cast %swap3A_248 : vector<16xf32> to vector<16xf32>
    %swap3A_250 = vector.shape_cast %broadcast_in_dim3A_246 : vector<16xf32> to vector<16xf32>
    tpu.vector_store %arg6[%swap3A_247], %swap3A_250 {strides = array<i32>} : memref<640xf32, #tpu.memory_space<vmem>>, vector<16xf32>,
    %broadcast_in_dim3A_251 = arith.constant 0.000000e+00 : f32
    %broadcast_in_dim3A_252 = vector.broadcast %broadcast_in_dim3A_251 : f32 to vector<16xf32>
    %swap3A_253 = arith.constant 544 : index
    %swap3A_254 = tpu.vector_load %arg6[%swap3A_253] {strides = array<i32>} : memref<640xf32, #tpu.memory_space<vmem>>, vector<16xf32>,
    %swap3A_255 = vector.shape_cast %swap3A_254 : vector<16xf32> to vector<16xf32>
    %swap3A_256 = vector.shape_cast %broadcast_in_dim3A_252 : vector<16xf32> to vector<16xf32>
    tpu.vector_store %arg6[%swap3A_253], %swap3A_256 {strides = array<i32>} : memref<640xf32, #tpu.memory_space<vmem>>, vector<16xf32>,
    %broadcast_in_dim3A_257 = arith.constant 0.000000e+00 : f32
    %broadcast_in_dim3A_258 = vector.broadcast %broadcast_in_dim3A_257 : f32 to vector<16xf32>
    %swap3A_259 = arith.constant 560 : index
    %swap3A_260 = tpu.vector_load %arg6[%swap3A_259] {strides = array<i32>} : memref<640xf32, #tpu.memory_space<vmem>>, vector<16xf32>,
    %swap3A_261 = vector.shape_cast %swap3A_260 : vector<16xf32> to vector<16xf32>
    %swap3A_262 = vector.shape_cast %broadcast_in_dim3A_258 : vector<16xf32> to vector<16xf32>
    tpu.vector_store %arg6[%swap3A_259], %swap3A_262 {strides = array<i32>} : memref<640xf32, #tpu.memory_space<vmem>>, vector<16xf32>,
    %broadcast_in_dim3A_263 = arith.constant 0.000000e+00 : f32
    %broadcast_in_dim3A_264 = vector.broadcast %broadcast_in_dim3A_263 : f32 to vector<16xf32>
    %swap3A_265 = arith.constant 576 : index
    %swap3A_266 = tpu.vector_load %arg6[%swap3A_265] {strides = array<i32>} : memref<640xf32, #tpu.memory_space<vmem>>, vector<16xf32>,
    %swap3A_267 = vector.shape_cast %swap3A_266 : vector<16xf32> to vector<16xf32>
    %swap3A_268 = vector.shape_cast %broadcast_in_dim3A_264 : vector<16xf32> to vector<16xf32>
    tpu.vector_store %arg6[%swap3A_265], %swap3A_268 {strides = array<i32>} : memref<640xf32, #tpu.memory_space<vmem>>, vector<16xf32>,
    %broadcast_in_dim3A_269 = arith.constant 0.000000e+00 : f32
    %broadcast_in_dim3A_270 = vector.broadcast %broadcast_in_dim3A_269 : f32 to vector<16xf32>
    %swap3A_271 = arith.constant 592 : index
    %swap3A_272 = tpu.vector_load %arg6[%swap3A_271] {strides = array<i32>} : memref<640xf32, #tpu.memory_space<vmem>>, vector<16xf32>,
    %swap3A_273 = vector.shape_cast %swap3A_272 : vector<16xf32> to vector<16xf32>
    %swap3A_274 = vector.shape_cast %broadcast_in_dim3A_270 : vector<16xf32> to vector<16xf32>
    tpu.vector_store %arg6[%swap3A_271], %swap3A_274 {strides = array<i32>} : memref<640xf32, #tpu.memory_space<vmem>>, vector<16xf32>,
    %broadcast_in_dim3A_275 = arith.constant 0.000000e+00 : f32
    %broadcast_in_dim3A_276 = vector.broadcast %broadcast_in_dim3A_275 : f32 to vector<16xf32>
    %swap3A_277 = arith.constant 608 : index
    %swap3A_278 = tpu.vector_load %arg6[%swap3A_277] {strides = array<i32>} : memref<640xf32, #tpu.memory_space<vmem>>, vector<16xf32>,
    %swap3A_279 = vector.shape_cast %swap3A_278 : vector<16xf32> to vector<16xf32>
    %swap3A_280 = vector.shape_cast %broadcast_in_dim3A_276 : vector<16xf32> to vector<16xf32>
    tpu.vector_store %arg6[%swap3A_277], %swap3A_280 {strides = array<i32>} : memref<640xf32, #tpu.memory_space<vmem>>, vector<16xf32>,
    %broadcast_in_dim3A_281 = arith.constant 0.000000e+00 : f32
    %broadcast_in_dim3A_282 = vector.broadcast %broadcast_in_dim3A_281 : f32 to vector<16xf32>
    %swap3A_283 = arith.constant 624 : index
    %swap3A_284 = tpu.vector_load %arg6[%swap3A_283] {strides = array<i32>} : memref<640xf32, #tpu.memory_space<vmem>>, vector<16xf32>,
    %swap3A_285 = vector.shape_cast %swap3A_284 : vector<16xf32> to vector<16xf32>
    %swap3A_286 = vector.shape_cast %broadcast_in_dim3A_282 : vector<16xf32> to vector<16xf32>
    tpu.vector_store %arg6[%swap3A_283], %swap3A_286 {strides = array<i32>} : memref<640xf32, #tpu.memory_space<vmem>>, vector<16xf32>,
    %mul3A_287 = arith.constant 640 : i32
    %mul3A_288 = arith.muli %arg1, %mul3A_287 : i32
    "tpu.region"() ({
      %run_scoped3A = tpu.sem_alloc : memref<!tpu.dma_semaphore, #tpu.memory_space<semaphore_mem>>
      %dma_start3A = tpu.memref_slice %arg7[%mul3A_288] : memref<10240xf32, #tpu.memory_space<vmem_shared>> -> memref<640xf32, #tpu.memory_space<vmem_shared>>
      %dma_start3A_305 = tpu.memref_slice %arg7[%mul3A_288] : memref<10240xf32, #tpu.memory_space<vmem_shared>> -> memref<640xf32, #tpu.memory_space<vmem_shared>>
      tpu.enqueue_dma source(%arg6 : memref<640xf32, #tpu.memory_space<vmem>>) target(%dma_start3A_305 : memref<640xf32, #tpu.memory_space<vmem_shared>>) target_semaphore(%run_scoped3A : memref<!tpu.dma_semaphore, #tpu.memory_space<semaphore_mem>>)
      %dma_wait3A = tpu.memref_slice %arg7[%mul3A_288] : memref<10240xf32, #tpu.memory_space<vmem_shared>> -> memref<640xf32, #tpu.memory_space<vmem_shared>>
      %dma_wait3A_306 = tpu.memref_slice %arg7[%mul3A_288] : memref<10240xf32, #tpu.memory_space<vmem_shared>> -> memref<640xf32, #tpu.memory_space<vmem_shared>>
      tpu.wait_dma2 semaphore(%run_scoped3A : memref<!tpu.dma_semaphore, #tpu.memory_space<semaphore_mem>>) src(%arg6 : memref<640xf32, #tpu.memory_space<vmem>>) dst(%dma_wait3A_306 : memref<640xf32, #tpu.memory_space<vmem_shared>>)
      tpu.yield
    }) : () -> ()
    %barrier3A = arith.constant 0 : index
    tpu.barrier barrier_id(%barrier3A)
    "tpu.region"() ({
      %run_scoped3A = tpu.sem_alloc : memref<!tpu.dma_semaphore, #tpu.memory_space<semaphore_mem>>
      %dma_start3A = arith.constant 0 : i32
      %dma_start3A_305 = arith.constant 0 : i32
      %dma_start3A_306 = tpu.memref_slice %arg2[%add3A, %dma_start3A, %dma_start3A_305] : memref<32x80x128xi32, #tpu.memory_space<hbm>> -> memref<1x80x128xi32, #tpu.memory_space<hbm>>
      %dma_start3A_307 = tpu.memref_squeeze %dma_start3A_306 : memref<1x80x128xi32, #tpu.memory_space<hbm>> -> memref<80x128xi32, #tpu.memory_space<hbm>>
      %dma_start3A_308 = arith.constant 0 : i32
      %dma_start3A_309 = arith.constant 0 : i32
      %dma_start3A_310 = tpu.memref_slice %arg2[%add3A, %dma_start3A_308, %dma_start3A_309] : memref<32x80x128xi32, #tpu.memory_space<hbm>> -> memref<1x80x128xi32, #tpu.memory_space<hbm>>
      %dma_start3A_311 = tpu.memref_squeeze %dma_start3A_310 : memref<1x80x128xi32, #tpu.memory_space<hbm>> -> memref<80x128xi32, #tpu.memory_space<hbm>>
      tpu.enqueue_dma source(%dma_start3A_311 : memref<80x128xi32, #tpu.memory_space<hbm>>) target(%arg4 : memref<80x128xi32, #tpu.memory_space<vmem>>) target_semaphore(%run_scoped3A : memref<!tpu.dma_semaphore, #tpu.memory_space<semaphore_mem>>)
      %dma_wait3A = arith.constant 0 : i32
      %dma_wait3A_312 = arith.constant 0 : i32
      %dma_wait3A_313 = tpu.memref_slice %arg2[%add3A, %dma_wait3A, %dma_wait3A_312] : memref<32x80x128xi32, #tpu.memory_space<hbm>> -> memref<1x80x128xi32, #tpu.memory_space<hbm>>
      %dma_wait3A_314 = tpu.memref_squeeze %dma_wait3A_313 : memref<1x80x128xi32, #tpu.memory_space<hbm>> -> memref<80x128xi32, #tpu.memory_space<hbm>>
      %dma_wait3A_315 = arith.constant 0 : i32
      %dma_wait3A_316 = arith.constant 0 : i32
      %dma_wait3A_317 = tpu.memref_slice %arg2[%add3A, %dma_wait3A_315, %dma_wait3A_316] : memref<32x80x128xi32, #tpu.memory_space<hbm>> -> memref<1x80x128xi32, #tpu.memory_space<hbm>>
      %dma_wait3A_318 = tpu.memref_squeeze %dma_wait3A_317 : memref<1x80x128xi32, #tpu.memory_space<hbm>> -> memref<80x128xi32, #tpu.memory_space<hbm>>
      tpu.wait_dma2 semaphore(%run_scoped3A : memref<!tpu.dma_semaphore, #tpu.memory_space<semaphore_mem>>) src(%dma_wait3A_318 : memref<80x128xi32, #tpu.memory_space<hbm>>) dst(%arg4 : memref<80x128xi32, #tpu.memory_space<vmem>>)
      tpu.yield
    }) : () -> ()
    %scan3A = arith.constant 0 : i32
    %scan3A_289 = arith.constant 0 : i32
    %scan3A_290 = arith.constant 80 : i32
    %scan3A_291 = arith.addi %scan3A_289, %scan3A_290 : i32
    %scan3A_292 = arith.constant 1 : i32
    scf.for %scan3A_305 = %scan3A_289 to %scan3A_291 step %scan3A_292  : i32 {
      %dma_start3A = arith.constant 0 : i32
      %dma_start3A_306 = tpu.memref_slice %arg4[%scan3A_305, %dma_start3A] : memref<80x128xi32, #tpu.memory_space<vmem>> -> memref<1x128xi32, #tpu.memory_space<vmem>>
      %dma_start3A_307 = tpu.memref_squeeze %dma_start3A_306 : memref<1x128xi32, #tpu.memory_space<vmem>> -> memref<128xi32, #tpu.memory_space<vmem>>
      %dma_start3A_308 = arith.constant 0 : i32
      %dma_start3A_309 = tpu.memref_slice %arg7[%dma_start3A_308] : memref<10240xf32, #tpu.memory_space<vmem_shared>> -> memref<10240xf32, #tpu.memory_space<vmem_shared>>
      tpu.enqueue_indirect_dma source(%arg5 : memref<128xf32, #tpu.memory_space<vmem>>) target(%dma_start3A_309 : memref<10240xf32, #tpu.memory_space<vmem_shared>>) offsets(%dma_start3A_307 : memref<128xi32, #tpu.memory_space<vmem>>) semaphore(%arg8 : memref<!tpu.dma_semaphore, #tpu.memory_space<semaphore_mem>>) {add = true}
    }
    %scan3A_293 = arith.constant 80 : i32
    %scan3A_294 = arith.constant 0 : i32
    %scan3A_295 = arith.constant 0 : i32
    %scan3A_296 = arith.constant 80 : i32
    %scan3A_297 = arith.addi %scan3A_295, %scan3A_296 : i32
    %scan3A_298 = arith.constant 1 : i32
    scf.for %scan3A_305 = %scan3A_295 to %scan3A_297 step %scan3A_298  : i32 {
      %dma_wait3A = arith.constant 0 : i32
      %dma_wait3A_306 = tpu.memref_slice %arg4[%scan3A_305, %dma_wait3A] : memref<80x128xi32, #tpu.memory_space<vmem>> -> memref<1x128xi32, #tpu.memory_space<vmem>>
      %dma_wait3A_307 = tpu.memref_squeeze %dma_wait3A_306 : memref<1x128xi32, #tpu.memory_space<vmem>> -> memref<128xi32, #tpu.memory_space<vmem>>
      %dma_wait3A_308 = arith.constant 0 : i32
      %dma_wait3A_309 = tpu.memref_slice %arg7[%dma_wait3A_308] : memref<10240xf32, #tpu.memory_space<vmem_shared>> -> memref<10240xf32, #tpu.memory_space<vmem_shared>>
      tpu.wait_indirect_dma semaphore(%arg8 : memref<!tpu.dma_semaphore, #tpu.memory_space<semaphore_mem>>) src(%arg5 : memref<128xf32, #tpu.memory_space<vmem>>) dst(%dma_wait3A_309 : memref<10240xf32, #tpu.memory_space<vmem_shared>>)
    }
    %scan3A_299 = arith.constant 80 : i32
    %barrier3A_300 = arith.constant 0 : index
    tpu.barrier barrier_id(%barrier3A_300)
    %mul3A_301 = arith.constant 640 : i32
    %mul3A_302 = arith.muli %arg1, %mul3A_301 : i32
    %mul3A_303 = arith.constant 640 : i32
    %mul3A_304 = arith.muli %arg1, %mul3A_303 : i32
    "tpu.region"() ({
      %run_scoped3A = tpu.sem_alloc : memref<!tpu.dma_semaphore, #tpu.memory_space<semaphore_mem>>
      %dma_start3A = tpu.memref_slice %arg3[%arg0, %mul3A_304] : memref<2x10240xf32, #tpu.memory_space<hbm>> -> memref<1x640xf32, #tpu.memory_space<hbm>>
      %dma_start3A_305 = tpu.memref_squeeze %dma_start3A : memref<1x640xf32, #tpu.memory_space<hbm>> -> memref<640xf32, #tpu.memory_space<hbm>>
      %dma_start3A_306 = tpu.memref_slice %arg7[%mul3A_302] : memref<10240xf32, #tpu.memory_space<vmem_shared>> -> memref<640xf32, #tpu.memory_space<vmem_shared>>
      tpu.enqueue_dma source(%dma_start3A_306 : memref<640xf32, #tpu.memory_space<vmem_shared>>) target(%dma_start3A_305 : memref<640xf32, #tpu.memory_space<hbm>>) target_semaphore(%run_scoped3A : memref<!tpu.dma_semaphore, #tpu.memory_space<semaphore_mem>>)
      %dma_wait3A = tpu.memref_slice %arg3[%arg0, %mul3A_304] : memref<2x10240xf32, #tpu.memory_space<hbm>> -> memref<1x640xf32, #tpu.memory_space<hbm>>
      %dma_wait3A_307 = tpu.memref_squeeze %dma_wait3A : memref<1x640xf32, #tpu.memory_space<hbm>> -> memref<640xf32, #tpu.memory_space<hbm>>
      %dma_wait3A_308 = tpu.memref_slice %arg7[%mul3A_302] : memref<10240xf32, #tpu.memory_space<vmem_shared>> -> memref<640xf32, #tpu.memory_space<vmem_shared>>
      tpu.wait_dma2 semaphore(%run_scoped3A : memref<!tpu.dma_semaphore, #tpu.memory_space<semaphore_mem>>) src(%dma_wait3A_308 : memref<640xf32, #tpu.memory_space<vmem_shared>>) dst(%dma_wait3A_307 : memref<640xf32, #tpu.memory_space<hbm>>)
      tpu.yield
    }) : () -> ()
    return
  }
}

#map = affine_map<(d0, d1) -> (0, 0, 0)>
module attributes {stable_mosaic.version = 14 : i64} {
  func.func @_acc_body(%arg0: i32, %arg1: i32, %arg2: memref<16x160x128xi32, #tpu.memory_space<hbm>>, %arg3: memref<16x160x128xi32, #tpu.memory_space<hbm>>, %arg4: memref<2x10000x64xbf16, #tpu.memory_space<hbm>>, %arg5: memref<2x10240x64xbf16, #tpu.memory_space<hbm>>, %arg6: memref<160x128xi32, #tpu.memory_space<vmem>>, %arg7: memref<160x128xi32, #tpu.memory_space<vmem>>, %arg8: memref<128x64xbf16, #tpu.memory_space<vmem>>, %arg9: memref<128x64xbf16, #tpu.memory_space<vmem>>, %arg10: memref<128x64xbf16, #tpu.memory_space<vmem>>, %arg11: memref<128x64xbf16, #tpu.memory_space<vmem>>, %arg12: memref<128x64xbf16, #tpu.memory_space<vmem>>, %arg13: memref<128x64xbf16, #tpu.memory_space<vmem>>, %arg14: memref<128x64xbf16, #tpu.memory_space<vmem>>, %arg15: memref<128x64xbf16, #tpu.memory_space<vmem>>, %arg16: memref<128x64xbf16, #tpu.memory_space<vmem>>, %arg17: memref<10240x64xbf16, #tpu.memory_space<vmem_shared>>, %arg18: memref<!tpu.dma_semaphore, #tpu.memory_space<semaphore_mem>>, %arg19: memref<!tpu.dma_semaphore, #tpu.memory_space<semaphore_mem>>, %arg20: memref<!tpu.dma_semaphore, #tpu.memory_space<semaphore_mem>>, %arg21: memref<!tpu.dma_semaphore, #tpu.memory_space<semaphore_mem>>, %arg22: memref<!tpu.dma_semaphore, #tpu.memory_space<semaphore_mem>>, %arg23: memref<!tpu.dma_semaphore, #tpu.memory_space<semaphore_mem>>, %arg24: memref<!tpu.dma_semaphore, #tpu.memory_space<semaphore_mem>>, %arg25: memref<!tpu.dma_semaphore, #tpu.memory_space<semaphore_mem>>) attributes {dimension_semantics = [#tpu.dimension_semantics<core_parallel>, #tpu.dimension_semantics<subcore_parallel>], iteration_bounds = array<i64: 2, 16>, scalar_prefetch = 0 : i64, scratch_operands = 20 : i64, tpu.core_type = #tpu.core_type<sc_vector_subcore>, window_params = [{transform_indices = #map}, {transform_indices = #map}, {transform_indices = #map}, {transform_indices = #map}]} {
    %lt3A = arith.constant 15 : i32
    %lt3A_0 = arith.cmpi slt, %arg1, %lt3A : i32
    %convert_element_type3A = arith.extui %lt3A_0 : i1 to i32
    %cond3A = arith.constant 0 : i32
    %cond3A_1 = arith.cmpi ne, %convert_element_type3A, %cond3A : i32
    scf.if %cond3A_1 {
      %mul3A_102 = arith.constant 640 : i32
      %mul3A_103 = arith.muli %arg1, %mul3A_102 : i32
      %mul3A_104 = arith.constant 640 : i32
      %mul3A_105 = arith.muli %arg1, %mul3A_104 : i32
      "tpu.region"() ({
        %run_scoped3A = tpu.sem_alloc : memref<!tpu.dma_semaphore, #tpu.memory_space<semaphore_mem>>
        %dma_start3A_106 = arith.constant 0 : i32
        %dma_start3A_107 = tpu.memref_slice %arg17[%mul3A_105, %dma_start3A_106] : memref<10240x64xbf16, #tpu.memory_space<vmem_shared>> -> memref<640x64xbf16, #tpu.memory_space<vmem_shared>>
        %dma_start3A_108 = arith.constant 0 : i32
        %dma_start3A_109 = tpu.memref_slice %arg4[%arg0, %mul3A_103, %dma_start3A_108] : memref<2x10000x64xbf16, #tpu.memory_space<hbm>> -> memref<1x640x64xbf16, #tpu.memory_space<hbm>>
        %dma_start3A_110 = tpu.memref_squeeze %dma_start3A_109 : memref<1x640x64xbf16, #tpu.memory_space<hbm>> -> memref<640x64xbf16, #tpu.memory_space<hbm>>
        tpu.enqueue_dma source(%dma_start3A_110 : memref<640x64xbf16, #tpu.memory_space<hbm>>) target(%dma_start3A_107 : memref<640x64xbf16, #tpu.memory_space<vmem_shared>>) target_semaphore(%run_scoped3A : memref<!tpu.dma_semaphore, #tpu.memory_space<semaphore_mem>>)
        %dma_wait3A = arith.constant 0 : i32
        %dma_wait3A_111 = tpu.memref_slice %arg17[%mul3A_105, %dma_wait3A] : memref<10240x64xbf16, #tpu.memory_space<vmem_shared>> -> memref<640x64xbf16, #tpu.memory_space<vmem_shared>>
        %dma_wait3A_112 = arith.constant 0 : i32
        %dma_wait3A_113 = tpu.memref_slice %arg4[%arg0, %mul3A_103, %dma_wait3A_112] : memref<2x10000x64xbf16, #tpu.memory_space<hbm>> -> memref<1x640x64xbf16, #tpu.memory_space<hbm>>
        %dma_wait3A_114 = tpu.memref_squeeze %dma_wait3A_113 : memref<1x640x64xbf16, #tpu.memory_space<hbm>> -> memref<640x64xbf16, #tpu.memory_space<hbm>>
        tpu.wait_dma2 semaphore(%run_scoped3A : memref<!tpu.dma_semaphore, #tpu.memory_space<semaphore_mem>>) src(%dma_wait3A_114 : memref<640x64xbf16, #tpu.memory_space<hbm>>) dst(%dma_wait3A_111 : memref<640x64xbf16, #tpu.memory_space<vmem_shared>>)
        tpu.yield
      }) : () -> ()
    } else {
    }
    %eq3A = arith.constant 15 : i32
    %eq3A_2 = arith.cmpi eq, %arg1, %eq3A : i32
    %convert_element_type3A_3 = arith.extui %eq3A_2 : i1 to i32
    %cond3A_4 = arith.constant 0 : i32
    %cond3A_5 = arith.cmpi ne, %convert_element_type3A_3, %cond3A_4 : i32
    scf.if %cond3A_5 {
      "tpu.region"() ({
        %run_scoped3A = tpu.sem_alloc : memref<!tpu.dma_semaphore, #tpu.memory_space<semaphore_mem>>
        %dma_start3A_108 = arith.constant 9600 : i32
        %dma_start3A_109 = arith.constant 0 : i32
        %dma_start3A_110 = tpu.memref_slice %arg17[%dma_start3A_108, %dma_start3A_109] : memref<10240x64xbf16, #tpu.memory_space<vmem_shared>> -> memref<400x64xbf16, #tpu.memory_space<vmem_shared>>
        %dma_start3A_111 = arith.constant 9600 : i32
        %dma_start3A_112 = arith.constant 0 : i32
        %dma_start3A_113 = tpu.memref_slice %arg4[%arg0, %dma_start3A_111, %dma_start3A_112] : memref<2x10000x64xbf16, #tpu.memory_space<hbm>> -> memref<1x400x64xbf16, #tpu.memory_space<hbm>>
        %dma_start3A_114 = tpu.memref_squeeze %dma_start3A_113 : memref<1x400x64xbf16, #tpu.memory_space<hbm>> -> memref<400x64xbf16, #tpu.memory_space<hbm>>
        tpu.enqueue_dma source(%dma_start3A_114 : memref<400x64xbf16, #tpu.memory_space<hbm>>) target(%dma_start3A_110 : memref<400x64xbf16, #tpu.memory_space<vmem_shared>>) target_semaphore(%run_scoped3A : memref<!tpu.dma_semaphore, #tpu.memory_space<semaphore_mem>>)
        %dma_wait3A = arith.constant 9600 : i32
        %dma_wait3A_115 = arith.constant 0 : i32
        %dma_wait3A_116 = tpu.memref_slice %arg17[%dma_wait3A, %dma_wait3A_115] : memref<10240x64xbf16, #tpu.memory_space<vmem_shared>> -> memref<400x64xbf16, #tpu.memory_space<vmem_shared>>
        %dma_wait3A_117 = arith.constant 9600 : i32
        %dma_wait3A_118 = arith.constant 0 : i32
        %dma_wait3A_119 = tpu.memref_slice %arg4[%arg0, %dma_wait3A_117, %dma_wait3A_118] : memref<2x10000x64xbf16, #tpu.memory_space<hbm>> -> memref<1x400x64xbf16, #tpu.memory_space<hbm>>
        %dma_wait3A_120 = tpu.memref_squeeze %dma_wait3A_119 : memref<1x400x64xbf16, #tpu.memory_space<hbm>> -> memref<400x64xbf16, #tpu.memory_space<hbm>>
        tpu.wait_dma2 semaphore(%run_scoped3A : memref<!tpu.dma_semaphore, #tpu.memory_space<semaphore_mem>>) src(%dma_wait3A_120 : memref<400x64xbf16, #tpu.memory_space<hbm>>) dst(%dma_wait3A_116 : memref<400x64xbf16, #tpu.memory_space<vmem_shared>>)
        tpu.yield
      }) : () -> ()
      %scan3A_102 = arith.constant 0 : i32
      %scan3A_103 = arith.constant 0 : i32
      %scan3A_104 = arith.constant 128 : i32
      %scan3A_105 = arith.addi %scan3A_103, %scan3A_104 : i32
      %scan3A_106 = arith.constant 1 : i32
      scf.for %scan3A_108 = %scan3A_103 to %scan3A_105 step %scan3A_106  : i32 {
        %broadcast_in_dim3A = arith.constant 0.000000e+00 : bf16
        %broadcast_in_dim3A_109 = vector.broadcast %broadcast_in_dim3A : bf16 to vector<32xbf16>
        %swap3A = arith.index_cast %scan3A_108 : i32 to index
        %swap3A_110 = arith.constant 0 : index
        %swap3A_111 = tpu.vector_load %arg16[%swap3A, %swap3A_110] {strides = array<i32>} : memref<128x64xbf16, #tpu.memory_space<vmem>>, vector<1x32xbf16>,
        %swap3A_112 = vector.shape_cast %swap3A_111 : vector<1x32xbf16> to vector<32xbf16>
        %swap3A_113 = vector.shape_cast %broadcast_in_dim3A_109 : vector<32xbf16> to vector<1x32xbf16>
        tpu.vector_store %arg16[%swap3A, %swap3A_110], %swap3A_113 {strides = array<i32>} : memref<128x64xbf16, #tpu.memory_space<vmem>>, vector<1x32xbf16>,
        %broadcast_in_dim3A_114 = arith.constant 0.000000e+00 : bf16
        %broadcast_in_dim3A_115 = vector.broadcast %broadcast_in_dim3A_114 : bf16 to vector<32xbf16>
        %swap3A_116 = arith.index_cast %scan3A_108 : i32 to index
        %swap3A_117 = arith.constant 32 : index
        %swap3A_118 = tpu.vector_load %arg16[%swap3A_116, %swap3A_117] {strides = array<i32>} : memref<128x64xbf16, #tpu.memory_space<vmem>>, vector<1x32xbf16>,
        %swap3A_119 = vector.shape_cast %swap3A_118 : vector<1x32xbf16> to vector<32xbf16>
        %swap3A_120 = vector.shape_cast %broadcast_in_dim3A_115 : vector<32xbf16> to vector<1x32xbf16>
        tpu.vector_store %arg16[%swap3A_116, %swap3A_117], %swap3A_120 {strides = array<i32>} : memref<128x64xbf16, #tpu.memory_space<vmem>>, vector<1x32xbf16>,
      }
      %scan3A_107 = arith.constant 128 : i32
      "tpu.region"() ({
        %run_scoped3A = tpu.sem_alloc : memref<!tpu.dma_semaphore, #tpu.memory_space<semaphore_mem>>
        %dma_start3A_108 = arith.constant 10000 : i32
        %dma_start3A_109 = arith.constant 0 : i32
        %dma_start3A_110 = tpu.memref_slice %arg17[%dma_start3A_108, %dma_start3A_109] : memref<10240x64xbf16, #tpu.memory_space<vmem_shared>> -> memref<128x64xbf16, #tpu.memory_space<vmem_shared>>
        %dma_start3A_111 = arith.constant 10000 : i32
        %dma_start3A_112 = arith.constant 0 : i32
        %dma_start3A_113 = tpu.memref_slice %arg17[%dma_start3A_111, %dma_start3A_112] : memref<10240x64xbf16, #tpu.memory_space<vmem_shared>> -> memref<128x64xbf16, #tpu.memory_space<vmem_shared>>
        tpu.enqueue_dma source(%arg16 : memref<128x64xbf16, #tpu.memory_space<vmem>>) target(%dma_start3A_113 : memref<128x64xbf16, #tpu.memory_space<vmem_shared>>) target_semaphore(%run_scoped3A : memref<!tpu.dma_semaphore, #tpu.memory_space<semaphore_mem>>)
        %dma_wait3A = arith.constant 10000 : i32
        %dma_wait3A_114 = arith.constant 0 : i32
        %dma_wait3A_115 = tpu.memref_slice %arg17[%dma_wait3A, %dma_wait3A_114] : memref<10240x64xbf16, #tpu.memory_space<vmem_shared>> -> memref<128x64xbf16, #tpu.memory_space<vmem_shared>>
        %dma_wait3A_116 = arith.constant 10000 : i32
        %dma_wait3A_117 = arith.constant 0 : i32
        %dma_wait3A_118 = tpu.memref_slice %arg17[%dma_wait3A_116, %dma_wait3A_117] : memref<10240x64xbf16, #tpu.memory_space<vmem_shared>> -> memref<128x64xbf16, #tpu.memory_space<vmem_shared>>
        tpu.wait_dma2 semaphore(%run_scoped3A : memref<!tpu.dma_semaphore, #tpu.memory_space<semaphore_mem>>) src(%arg16 : memref<128x64xbf16, #tpu.memory_space<vmem>>) dst(%dma_wait3A_118 : memref<128x64xbf16, #tpu.memory_space<vmem_shared>>)
        tpu.yield
      }) : () -> ()
      "tpu.region"() ({
        %run_scoped3A = tpu.sem_alloc : memref<!tpu.dma_semaphore, #tpu.memory_space<semaphore_mem>>
        %dma_start3A_108 = arith.constant 0 : i32
        %dma_start3A_109 = arith.constant 0 : i32
        %dma_start3A_110 = tpu.memref_slice %arg16[%dma_start3A_108, %dma_start3A_109] : memref<128x64xbf16, #tpu.memory_space<vmem>> -> memref<112x64xbf16, #tpu.memory_space<vmem>>
        %dma_start3A_111 = arith.constant 10128 : i32
        %dma_start3A_112 = arith.constant 0 : i32
        %dma_start3A_113 = tpu.memref_slice %arg17[%dma_start3A_111, %dma_start3A_112] : memref<10240x64xbf16, #tpu.memory_space<vmem_shared>> -> memref<112x64xbf16, #tpu.memory_space<vmem_shared>>
        %dma_start3A_114 = arith.constant 10128 : i32
        %dma_start3A_115 = arith.constant 0 : i32
        %dma_start3A_116 = tpu.memref_slice %arg17[%dma_start3A_114, %dma_start3A_115] : memref<10240x64xbf16, #tpu.memory_space<vmem_shared>> -> memref<112x64xbf16, #tpu.memory_space<vmem_shared>>
        %dma_start3A_117 = arith.constant 0 : i32
        %dma_start3A_118 = arith.constant 0 : i32
        %dma_start3A_119 = tpu.memref_slice %arg16[%dma_start3A_117, %dma_start3A_118] : memref<128x64xbf16, #tpu.memory_space<vmem>> -> memref<112x64xbf16, #tpu.memory_space<vmem>>
        tpu.enqueue_dma source(%dma_start3A_119 : memref<112x64xbf16, #tpu.memory_space<vmem>>) target(%dma_start3A_116 : memref<112x64xbf16, #tpu.memory_space<vmem_shared>>) target_semaphore(%run_scoped3A : memref<!tpu.dma_semaphore, #tpu.memory_space<semaphore_mem>>)
        %dma_wait3A = arith.constant 0 : i32
        %dma_wait3A_120 = arith.constant 0 : i32
        %dma_wait3A_121 = tpu.memref_slice %arg16[%dma_wait3A, %dma_wait3A_120] : memref<128x64xbf16, #tpu.memory_space<vmem>> -> memref<112x64xbf16, #tpu.memory_space<vmem>>
        %dma_wait3A_122 = arith.constant 10128 : i32
        %dma_wait3A_123 = arith.constant 0 : i32
        %dma_wait3A_124 = tpu.memref_slice %arg17[%dma_wait3A_122, %dma_wait3A_123] : memref<10240x64xbf16, #tpu.memory_space<vmem_shared>> -> memref<112x64xbf16, #tpu.memory_space<vmem_shared>>
        %dma_wait3A_125 = arith.constant 10128 : i32
        %dma_wait3A_126 = arith.constant 0 : i32
        %dma_wait3A_127 = tpu.memref_slice %arg17[%dma_wait3A_125, %dma_wait3A_126] : memref<10240x64xbf16, #tpu.memory_space<vmem_shared>> -> memref<112x64xbf16, #tpu.memory_space<vmem_shared>>
        %dma_wait3A_128 = arith.constant 0 : i32
        %dma_wait3A_129 = arith.constant 0 : i32
        %dma_wait3A_130 = tpu.memref_slice %arg16[%dma_wait3A_128, %dma_wait3A_129] : memref<128x64xbf16, #tpu.memory_space<vmem>> -> memref<112x64xbf16, #tpu.memory_space<vmem>>
        tpu.wait_dma2 semaphore(%run_scoped3A : memref<!tpu.dma_semaphore, #tpu.memory_space<semaphore_mem>>) src(%dma_wait3A_130 : memref<112x64xbf16, #tpu.memory_space<vmem>>) dst(%dma_wait3A_127 : memref<112x64xbf16, #tpu.memory_space<vmem_shared>>)
        tpu.yield
      }) : () -> ()
    } else {
    }
    %barrier3A = arith.constant 0 : index
    tpu.barrier barrier_id(%barrier3A)
    "tpu.region"() ({
      %run_scoped3A = tpu.sem_alloc : memref<!tpu.dma_semaphore, #tpu.memory_space<semaphore_mem>>
      %dma_start3A_102 = arith.constant 0 : i32
      %dma_start3A_103 = arith.constant 0 : i32
      %dma_start3A_104 = tpu.memref_slice %arg2[%arg1, %dma_start3A_102, %dma_start3A_103] : memref<16x160x128xi32, #tpu.memory_space<hbm>> -> memref<1x160x128xi32, #tpu.memory_space<hbm>>
      %dma_start3A_105 = tpu.memref_squeeze %dma_start3A_104 : memref<1x160x128xi32, #tpu.memory_space<hbm>> -> memref<160x128xi32, #tpu.memory_space<hbm>>
      %dma_start3A_106 = arith.constant 0 : i32
      %dma_start3A_107 = arith.constant 0 : i32
      %dma_start3A_108 = tpu.memref_slice %arg2[%arg1, %dma_start3A_106, %dma_start3A_107] : memref<16x160x128xi32, #tpu.memory_space<hbm>> -> memref<1x160x128xi32, #tpu.memory_space<hbm>>
      %dma_start3A_109 = tpu.memref_squeeze %dma_start3A_108 : memref<1x160x128xi32, #tpu.memory_space<hbm>> -> memref<160x128xi32, #tpu.memory_space<hbm>>
      tpu.enqueue_dma source(%dma_start3A_109 : memref<160x128xi32, #tpu.memory_space<hbm>>) target(%arg6 : memref<160x128xi32, #tpu.memory_space<vmem>>) target_semaphore(%run_scoped3A : memref<!tpu.dma_semaphore, #tpu.memory_space<semaphore_mem>>)
      %dma_wait3A = arith.constant 0 : i32
      %dma_wait3A_110 = arith.constant 0 : i32
      %dma_wait3A_111 = tpu.memref_slice %arg2[%arg1, %dma_wait3A, %dma_wait3A_110] : memref<16x160x128xi32, #tpu.memory_space<hbm>> -> memref<1x160x128xi32, #tpu.memory_space<hbm>>
      %dma_wait3A_112 = tpu.memref_squeeze %dma_wait3A_111 : memref<1x160x128xi32, #tpu.memory_space<hbm>> -> memref<160x128xi32, #tpu.memory_space<hbm>>
      %dma_wait3A_113 = arith.constant 0 : i32
      %dma_wait3A_114 = arith.constant 0 : i32
      %dma_wait3A_115 = tpu.memref_slice %arg2[%arg1, %dma_wait3A_113, %dma_wait3A_114] : memref<16x160x128xi32, #tpu.memory_space<hbm>> -> memref<1x160x128xi32, #tpu.memory_space<hbm>>
      %dma_wait3A_116 = tpu.memref_squeeze %dma_wait3A_115 : memref<1x160x128xi32, #tpu.memory_space<hbm>> -> memref<160x128xi32, #tpu.memory_space<hbm>>
      tpu.wait_dma2 semaphore(%run_scoped3A : memref<!tpu.dma_semaphore, #tpu.memory_space<semaphore_mem>>) src(%dma_wait3A_116 : memref<160x128xi32, #tpu.memory_space<hbm>>) dst(%arg6 : memref<160x128xi32, #tpu.memory_space<vmem>>)
      tpu.yield
    }) : () -> ()
    "tpu.region"() ({
      %run_scoped3A = tpu.sem_alloc : memref<!tpu.dma_semaphore, #tpu.memory_space<semaphore_mem>>
      %dma_start3A_102 = arith.constant 0 : i32
      %dma_start3A_103 = arith.constant 0 : i32
      %dma_start3A_104 = tpu.memref_slice %arg3[%arg1, %dma_start3A_102, %dma_start3A_103] : memref<16x160x128xi32, #tpu.memory_space<hbm>> -> memref<1x160x128xi32, #tpu.memory_space<hbm>>
      %dma_start3A_105 = tpu.memref_squeeze %dma_start3A_104 : memref<1x160x128xi32, #tpu.memory_space<hbm>> -> memref<160x128xi32, #tpu.memory_space<hbm>>
      %dma_start3A_106 = arith.constant 0 : i32
      %dma_start3A_107 = arith.constant 0 : i32
      %dma_start3A_108 = tpu.memref_slice %arg3[%arg1, %dma_start3A_106, %dma_start3A_107] : memref<16x160x128xi32, #tpu.memory_space<hbm>> -> memref<1x160x128xi32, #tpu.memory_space<hbm>>
      %dma_start3A_109 = tpu.memref_squeeze %dma_start3A_108 : memref<1x160x128xi32, #tpu.memory_space<hbm>> -> memref<160x128xi32, #tpu.memory_space<hbm>>
      tpu.enqueue_dma source(%dma_start3A_109 : memref<160x128xi32, #tpu.memory_space<hbm>>) target(%arg7 : memref<160x128xi32, #tpu.memory_space<vmem>>) target_semaphore(%run_scoped3A : memref<!tpu.dma_semaphore, #tpu.memory_space<semaphore_mem>>)
      %dma_wait3A = arith.constant 0 : i32
      %dma_wait3A_110 = arith.constant 0 : i32
      %dma_wait3A_111 = tpu.memref_slice %arg3[%arg1, %dma_wait3A, %dma_wait3A_110] : memref<16x160x128xi32, #tpu.memory_space<hbm>> -> memref<1x160x128xi32, #tpu.memory_space<hbm>>
      %dma_wait3A_112 = tpu.memref_squeeze %dma_wait3A_111 : memref<1x160x128xi32, #tpu.memory_space<hbm>> -> memref<160x128xi32, #tpu.memory_space<hbm>>
      %dma_wait3A_113 = arith.constant 0 : i32
      %dma_wait3A_114 = arith.constant 0 : i32
      %dma_wait3A_115 = tpu.memref_slice %arg3[%arg1, %dma_wait3A_113, %dma_wait3A_114] : memref<16x160x128xi32, #tpu.memory_space<hbm>> -> memref<1x160x128xi32, #tpu.memory_space<hbm>>
      %dma_wait3A_116 = tpu.memref_squeeze %dma_wait3A_115 : memref<1x160x128xi32, #tpu.memory_space<hbm>> -> memref<160x128xi32, #tpu.memory_space<hbm>>
      tpu.wait_dma2 semaphore(%run_scoped3A : memref<!tpu.dma_semaphore, #tpu.memory_space<semaphore_mem>>) src(%dma_wait3A_116 : memref<160x128xi32, #tpu.memory_space<hbm>>) dst(%arg7 : memref<160x128xi32, #tpu.memory_space<vmem>>)
      tpu.yield
    }) : () -> ()
    %dma_start3A = arith.constant 0 : i32
    %dma_start3A_6 = arith.constant 0 : i32
    %dma_start3A_7 = tpu.memref_slice %arg6[%dma_start3A, %dma_start3A_6] : memref<160x128xi32, #tpu.memory_space<vmem>> -> memref<1x128xi32, #tpu.memory_space<vmem>>
    %dma_start3A_8 = tpu.memref_squeeze %dma_start3A_7 : memref<1x128xi32, #tpu.memory_space<vmem>> -> memref<128xi32, #tpu.memory_space<vmem>>
    %dma_start3A_9 = arith.constant 0 : i32
    %dma_start3A_10 = arith.constant 0 : i32
    %dma_start3A_11 = tpu.memref_slice %arg4[%arg0, %dma_start3A_9, %dma_start3A_10] : memref<2x10000x64xbf16, #tpu.memory_space<hbm>> -> memref<1x10000x64xbf16, #tpu.memory_space<hbm>>
    %dma_start3A_12 = tpu.memref_squeeze %dma_start3A_11 : memref<1x10000x64xbf16, #tpu.memory_space<hbm>> -> memref<10000x64xbf16, #tpu.memory_space<hbm>>
    %dma_start3A_13 = arith.constant 0 : i32
    %dma_start3A_14 = arith.constant 0 : i32
    %dma_start3A_15 = tpu.memref_slice %dma_start3A_12[%dma_start3A_13, %dma_start3A_14] : memref<10000x64xbf16, #tpu.memory_space<hbm>> -> memref<10000x64xbf16, #tpu.memory_space<hbm>>
    tpu.enqueue_indirect_dma source(%dma_start3A_15 : memref<10000x64xbf16, #tpu.memory_space<hbm>>) target(%arg8 : memref<128x64xbf16, #tpu.memory_space<vmem>>) offsets(%dma_start3A_8 : memref<128xi32, #tpu.memory_space<vmem>>) semaphore(%arg18 : memref<!tpu.dma_semaphore, #tpu.memory_space<semaphore_mem>>)
    %dma_start3A_16 = arith.constant 1 : i32
    %dma_start3A_17 = arith.constant 0 : i32
    %dma_start3A_18 = tpu.memref_slice %arg6[%dma_start3A_16, %dma_start3A_17] : memref<160x128xi32, #tpu.memory_space<vmem>> -> memref<1x128xi32, #tpu.memory_space<vmem>>
    %dma_start3A_19 = tpu.memref_squeeze %dma_start3A_18 : memref<1x128xi32, #tpu.memory_space<vmem>> -> memref<128xi32, #tpu.memory_space<vmem>>
    %dma_start3A_20 = arith.constant 0 : i32
    %dma_start3A_21 = arith.constant 0 : i32
    %dma_start3A_22 = tpu.memref_slice %arg4[%arg0, %dma_start3A_20, %dma_start3A_21] : memref<2x10000x64xbf16, #tpu.memory_space<hbm>> -> memref<1x10000x64xbf16, #tpu.memory_space<hbm>>
    %dma_start3A_23 = tpu.memref_squeeze %dma_start3A_22 : memref<1x10000x64xbf16, #tpu.memory_space<hbm>> -> memref<10000x64xbf16, #tpu.memory_space<hbm>>
    %dma_start3A_24 = arith.constant 0 : i32
    %dma_start3A_25 = arith.constant 0 : i32
    %dma_start3A_26 = tpu.memref_slice %dma_start3A_23[%dma_start3A_24, %dma_start3A_25] : memref<10000x64xbf16, #tpu.memory_space<hbm>> -> memref<10000x64xbf16, #tpu.memory_space<hbm>>
    tpu.enqueue_indirect_dma source(%dma_start3A_26 : memref<10000x64xbf16, #tpu.memory_space<hbm>>) target(%arg9 : memref<128x64xbf16, #tpu.memory_space<vmem>>) offsets(%dma_start3A_19 : memref<128xi32, #tpu.memory_space<vmem>>) semaphore(%arg19 : memref<!tpu.dma_semaphore, #tpu.memory_space<semaphore_mem>>)
    %dma_start3A_27 = arith.constant 2 : i32
    %dma_start3A_28 = arith.constant 0 : i32
    %dma_start3A_29 = tpu.memref_slice %arg6[%dma_start3A_27, %dma_start3A_28] : memref<160x128xi32, #tpu.memory_space<vmem>> -> memref<1x128xi32, #tpu.memory_space<vmem>>
    %dma_start3A_30 = tpu.memref_squeeze %dma_start3A_29 : memref<1x128xi32, #tpu.memory_space<vmem>> -> memref<128xi32, #tpu.memory_space<vmem>>
    %dma_start3A_31 = arith.constant 0 : i32
    %dma_start3A_32 = arith.constant 0 : i32
    %dma_start3A_33 = tpu.memref_slice %arg4[%arg0, %dma_start3A_31, %dma_start3A_32] : memref<2x10000x64xbf16, #tpu.memory_space<hbm>> -> memref<1x10000x64xbf16, #tpu.memory_space<hbm>>
    %dma_start3A_34 = tpu.memref_squeeze %dma_start3A_33 : memref<1x10000x64xbf16, #tpu.memory_space<hbm>> -> memref<10000x64xbf16, #tpu.memory_space<hbm>>
    %dma_start3A_35 = arith.constant 0 : i32
    %dma_start3A_36 = arith.constant 0 : i32
    %dma_start3A_37 = tpu.memref_slice %dma_start3A_34[%dma_start3A_35, %dma_start3A_36] : memref<10000x64xbf16, #tpu.memory_space<hbm>> -> memref<10000x64xbf16, #tpu.memory_space<hbm>>
    tpu.enqueue_indirect_dma source(%dma_start3A_37 : memref<10000x64xbf16, #tpu.memory_space<hbm>>) target(%arg10 : memref<128x64xbf16, #tpu.memory_space<vmem>>) offsets(%dma_start3A_30 : memref<128xi32, #tpu.memory_space<vmem>>) semaphore(%arg20 : memref<!tpu.dma_semaphore, #tpu.memory_space<semaphore_mem>>)
    %dma_start3A_38 = arith.constant 3 : i32
    %dma_start3A_39 = arith.constant 0 : i32
    %dma_start3A_40 = tpu.memref_slice %arg6[%dma_start3A_38, %dma_start3A_39] : memref<160x128xi32, #tpu.memory_space<vmem>> -> memref<1x128xi32, #tpu.memory_space<vmem>>
    %dma_start3A_41 = tpu.memref_squeeze %dma_start3A_40 : memref<1x128xi32, #tpu.memory_space<vmem>> -> memref<128xi32, #tpu.memory_space<vmem>>
    %dma_start3A_42 = arith.constant 0 : i32
    %dma_start3A_43 = arith.constant 0 : i32
    %dma_start3A_44 = tpu.memref_slice %arg4[%arg0, %dma_start3A_42, %dma_start3A_43] : memref<2x10000x64xbf16, #tpu.memory_space<hbm>> -> memref<1x10000x64xbf16, #tpu.memory_space<hbm>>
    %dma_start3A_45 = tpu.memref_squeeze %dma_start3A_44 : memref<1x10000x64xbf16, #tpu.memory_space<hbm>> -> memref<10000x64xbf16, #tpu.memory_space<hbm>>
    %dma_start3A_46 = arith.constant 0 : i32
    %dma_start3A_47 = arith.constant 0 : i32
    %dma_start3A_48 = tpu.memref_slice %dma_start3A_45[%dma_start3A_46, %dma_start3A_47] : memref<10000x64xbf16, #tpu.memory_space<hbm>> -> memref<10000x64xbf16, #tpu.memory_space<hbm>>
    tpu.enqueue_indirect_dma source(%dma_start3A_48 : memref<10000x64xbf16, #tpu.memory_space<hbm>>) target(%arg11 : memref<128x64xbf16, #tpu.memory_space<vmem>>) offsets(%dma_start3A_41 : memref<128xi32, #tpu.memory_space<vmem>>) semaphore(%arg21 : memref<!tpu.dma_semaphore, #tpu.memory_space<semaphore_mem>>)
    %dma_start3A_49 = arith.constant 4 : i32
    %dma_start3A_50 = arith.constant 0 : i32
    %dma_start3A_51 = tpu.memref_slice %arg6[%dma_start3A_49, %dma_start3A_50] : memref<160x128xi32, #tpu.memory_space<vmem>> -> memref<1x128xi32, #tpu.memory_space<vmem>>
    %dma_start3A_52 = tpu.memref_squeeze %dma_start3A_51 : memref<1x128xi32, #tpu.memory_space<vmem>> -> memref<128xi32, #tpu.memory_space<vmem>>
    %dma_start3A_53 = arith.constant 0 : i32
    %dma_start3A_54 = arith.constant 0 : i32
    %dma_start3A_55 = tpu.memref_slice %arg4[%arg0, %dma_start3A_53, %dma_start3A_54] : memref<2x10000x64xbf16, #tpu.memory_space<hbm>> -> memref<1x10000x64xbf16, #tpu.memory_space<hbm>>
    %dma_start3A_56 = tpu.memref_squeeze %dma_start3A_55 : memref<1x10000x64xbf16, #tpu.memory_space<hbm>> -> memref<10000x64xbf16, #tpu.memory_space<hbm>>
    %dma_start3A_57 = arith.constant 0 : i32
    %dma_start3A_58 = arith.constant 0 : i32
    %dma_start3A_59 = tpu.memref_slice %dma_start3A_56[%dma_start3A_57, %dma_start3A_58] : memref<10000x64xbf16, #tpu.memory_space<hbm>> -> memref<10000x64xbf16, #tpu.memory_space<hbm>>
    tpu.enqueue_indirect_dma source(%dma_start3A_59 : memref<10000x64xbf16, #tpu.memory_space<hbm>>) target(%arg12 : memref<128x64xbf16, #tpu.memory_space<vmem>>) offsets(%dma_start3A_52 : memref<128xi32, #tpu.memory_space<vmem>>) semaphore(%arg22 : memref<!tpu.dma_semaphore, #tpu.memory_space<semaphore_mem>>)
    %dma_start3A_60 = arith.constant 5 : i32
    %dma_start3A_61 = arith.constant 0 : i32
    %dma_start3A_62 = tpu.memref_slice %arg6[%dma_start3A_60, %dma_start3A_61] : memref<160x128xi32, #tpu.memory_space<vmem>> -> memref<1x128xi32, #tpu.memory_space<vmem>>
    %dma_start3A_63 = tpu.memref_squeeze %dma_start3A_62 : memref<1x128xi32, #tpu.memory_space<vmem>> -> memref<128xi32, #tpu.memory_space<vmem>>
    %dma_start3A_64 = arith.constant 0 : i32
    %dma_start3A_65 = arith.constant 0 : i32
    %dma_start3A_66 = tpu.memref_slice %arg4[%arg0, %dma_start3A_64, %dma_start3A_65] : memref<2x10000x64xbf16, #tpu.memory_space<hbm>> -> memref<1x10000x64xbf16, #tpu.memory_space<hbm>>
    %dma_start3A_67 = tpu.memref_squeeze %dma_start3A_66 : memref<1x10000x64xbf16, #tpu.memory_space<hbm>> -> memref<10000x64xbf16, #tpu.memory_space<hbm>>
    %dma_start3A_68 = arith.constant 0 : i32
    %dma_start3A_69 = arith.constant 0 : i32
    %dma_start3A_70 = tpu.memref_slice %dma_start3A_67[%dma_start3A_68, %dma_start3A_69] : memref<10000x64xbf16, #tpu.memory_space<hbm>> -> memref<10000x64xbf16, #tpu.memory_space<hbm>>
    tpu.enqueue_indirect_dma source(%dma_start3A_70 : memref<10000x64xbf16, #tpu.memory_space<hbm>>) target(%arg13 : memref<128x64xbf16, #tpu.memory_space<vmem>>) offsets(%dma_start3A_63 : memref<128xi32, #tpu.memory_space<vmem>>) semaphore(%arg23 : memref<!tpu.dma_semaphore, #tpu.memory_space<semaphore_mem>>)
    %dma_start3A_71 = arith.constant 6 : i32
    %dma_start3A_72 = arith.constant 0 : i32
    %dma_start3A_73 = tpu.memref_slice %arg6[%dma_start3A_71, %dma_start3A_72] : memref<160x128xi32, #tpu.memory_space<vmem>> -> memref<1x128xi32, #tpu.memory_space<vmem>>
    %dma_start3A_74 = tpu.memref_squeeze %dma_start3A_73 : memref<1x128xi32, #tpu.memory_space<vmem>> -> memref<128xi32, #tpu.memory_space<vmem>>
    %dma_start3A_75 = arith.constant 0 : i32
    %dma_start3A_76 = arith.constant 0 : i32
    %dma_start3A_77 = tpu.memref_slice %arg4[%arg0, %dma_start3A_75, %dma_start3A_76] : memref<2x10000x64xbf16, #tpu.memory_space<hbm>> -> memref<1x10000x64xbf16, #tpu.memory_space<hbm>>
    %dma_start3A_78 = tpu.memref_squeeze %dma_start3A_77 : memref<1x10000x64xbf16, #tpu.memory_space<hbm>> -> memref<10000x64xbf16, #tpu.memory_space<hbm>>
    %dma_start3A_79 = arith.constant 0 : i32
    %dma_start3A_80 = arith.constant 0 : i32
    %dma_start3A_81 = tpu.memref_slice %dma_start3A_78[%dma_start3A_79, %dma_start3A_80] : memref<10000x64xbf16, #tpu.memory_space<hbm>> -> memref<10000x64xbf16, #tpu.memory_space<hbm>>
    tpu.enqueue_indirect_dma source(%dma_start3A_81 : memref<10000x64xbf16, #tpu.memory_space<hbm>>) target(%arg14 : memref<128x64xbf16, #tpu.memory_space<vmem>>) offsets(%dma_start3A_74 : memref<128xi32, #tpu.memory_space<vmem>>) semaphore(%arg24 : memref<!tpu.dma_semaphore, #tpu.memory_space<semaphore_mem>>)
    %dma_start3A_82 = arith.constant 7 : i32
    %dma_start3A_83 = arith.constant 0 : i32
    %dma_start3A_84 = tpu.memref_slice %arg6[%dma_start3A_82, %dma_start3A_83] : memref<160x128xi32, #tpu.memory_space<vmem>> -> memref<1x128xi32, #tpu.memory_space<vmem>>
    %dma_start3A_85 = tpu.memref_squeeze %dma_start3A_84 : memref<1x128xi32, #tpu.memory_space<vmem>> -> memref<128xi32, #tpu.memory_space<vmem>>
    %dma_start3A_86 = arith.constant 0 : i32
    %dma_start3A_87 = arith.constant 0 : i32
    %dma_start3A_88 = tpu.memref_slice %arg4[%arg0, %dma_start3A_86, %dma_start3A_87] : memref<2x10000x64xbf16, #tpu.memory_space<hbm>> -> memref<1x10000x64xbf16, #tpu.memory_space<hbm>>
    %dma_start3A_89 = tpu.memref_squeeze %dma_start3A_88 : memref<1x10000x64xbf16, #tpu.memory_space<hbm>> -> memref<10000x64xbf16, #tpu.memory_space<hbm>>
    %dma_start3A_90 = arith.constant 0 : i32
    %dma_start3A_91 = arith.constant 0 : i32
    %dma_start3A_92 = tpu.memref_slice %dma_start3A_89[%dma_start3A_90, %dma_start3A_91] : memref<10000x64xbf16, #tpu.memory_space<hbm>> -> memref<10000x64xbf16, #tpu.memory_space<hbm>>
    tpu.enqueue_indirect_dma source(%dma_start3A_92 : memref<10000x64xbf16, #tpu.memory_space<hbm>>) target(%arg15 : memref<128x64xbf16, #tpu.memory_space<vmem>>) offsets(%dma_start3A_85 : memref<128xi32, #tpu.memory_space<vmem>>) semaphore(%arg25 : memref<!tpu.dma_semaphore, #tpu.memory_space<semaphore_mem>>)
    %scan3A = arith.constant 0 : i32
    %scan3A_93 = arith.constant 0 : i32
    %scan3A_94 = arith.constant 20 : i32
    %scan3A_95 = arith.addi %scan3A_93, %scan3A_94 : i32
    %scan3A_96 = arith.constant 1 : i32
    scf.for %scan3A_102 = %scan3A_93 to %scan3A_95 step %scan3A_96  : i32 {
      %mul3A_103 = arith.constant 8 : i32
      %mul3A_104 = arith.muli %scan3A_102, %mul3A_103 : i32
      %add3A = arith.constant 0 : i32
      %add3A_105 = arith.addi %mul3A_104, %add3A : i32
      %dma_wait3A = arith.constant 0 : i32
      %dma_wait3A_106 = tpu.memref_slice %arg6[%add3A_105, %dma_wait3A] : memref<160x128xi32, #tpu.memory_space<vmem>> -> memref<1x128xi32, #tpu.memory_space<vmem>>
      %dma_wait3A_107 = tpu.memref_squeeze %dma_wait3A_106 : memref<1x128xi32, #tpu.memory_space<vmem>> -> memref<128xi32, #tpu.memory_space<vmem>>
      %dma_wait3A_108 = arith.constant 0 : i32
      %dma_wait3A_109 = arith.constant 0 : i32
      %dma_wait3A_110 = tpu.memref_slice %arg4[%arg0, %dma_wait3A_108, %dma_wait3A_109] : memref<2x10000x64xbf16, #tpu.memory_space<hbm>> -> memref<1x10000x64xbf16, #tpu.memory_space<hbm>>
      %dma_wait3A_111 = tpu.memref_squeeze %dma_wait3A_110 : memref<1x10000x64xbf16, #tpu.memory_space<hbm>> -> memref<10000x64xbf16, #tpu.memory_space<hbm>>
      %dma_wait3A_112 = arith.constant 0 : i32
      %dma_wait3A_113 = arith.constant 0 : i32
      %dma_wait3A_114 = tpu.memref_slice %dma_wait3A_111[%dma_wait3A_112, %dma_wait3A_113] : memref<10000x64xbf16, #tpu.memory_space<hbm>> -> memref<10000x64xbf16, #tpu.memory_space<hbm>>
      tpu.wait_indirect_dma semaphore(%arg18 : memref<!tpu.dma_semaphore, #tpu.memory_space<semaphore_mem>>) src(%dma_wait3A_114 : memref<10000x64xbf16, #tpu.memory_space<hbm>>) dst(%arg8 : memref<128x64xbf16, #tpu.memory_space<vmem>>)
      "tpu.region"() ({
        %run_scoped3A = tpu.sem_alloc : memref<!tpu.dma_semaphore, #tpu.memory_space<semaphore_mem>>
        %dma_start3A_255 = arith.constant 0 : i32
        %dma_start3A_256 = tpu.memref_slice %arg7[%add3A_105, %dma_start3A_255] : memref<160x128xi32, #tpu.memory_space<vmem>> -> memref<1x128xi32, #tpu.memory_space<vmem>>
        %dma_start3A_257 = tpu.memref_squeeze %dma_start3A_256 : memref<1x128xi32, #tpu.memory_space<vmem>> -> memref<128xi32, #tpu.memory_space<vmem>>
        %dma_start3A_258 = arith.constant 0 : i32
        %dma_start3A_259 = arith.constant 0 : i32
        %dma_start3A_260 = tpu.memref_slice %arg17[%dma_start3A_258, %dma_start3A_259] : memref<10240x64xbf16, #tpu.memory_space<vmem_shared>> -> memref<10240x64xbf16, #tpu.memory_space<vmem_shared>>
        tpu.enqueue_indirect_dma source(%arg8 : memref<128x64xbf16, #tpu.memory_space<vmem>>) target(%dma_start3A_260 : memref<10240x64xbf16, #tpu.memory_space<vmem_shared>>) offsets(%dma_start3A_257 : memref<128xi32, #tpu.memory_space<vmem>>) semaphore(%run_scoped3A : memref<!tpu.dma_semaphore, #tpu.memory_space<semaphore_mem>>) {add = true}
        %dma_wait3A_261 = arith.constant 0 : i32
        %dma_wait3A_262 = tpu.memref_slice %arg7[%add3A_105, %dma_wait3A_261] : memref<160x128xi32, #tpu.memory_space<vmem>> -> memref<1x128xi32, #tpu.memory_space<vmem>>
        %dma_wait3A_263 = tpu.memref_squeeze %dma_wait3A_262 : memref<1x128xi32, #tpu.memory_space<vmem>> -> memref<128xi32, #tpu.memory_space<vmem>>
        %dma_wait3A_264 = arith.constant 0 : i32
        %dma_wait3A_265 = arith.constant 0 : i32
        %dma_wait3A_266 = tpu.memref_slice %arg17[%dma_wait3A_264, %dma_wait3A_265] : memref<10240x64xbf16, #tpu.memory_space<vmem_shared>> -> memref<10240x64xbf16, #tpu.memory_space<vmem_shared>>
        tpu.wait_indirect_dma semaphore(%run_scoped3A : memref<!tpu.dma_semaphore, #tpu.memory_space<semaphore_mem>>) src(%arg8 : memref<128x64xbf16, #tpu.memory_space<vmem>>) dst(%dma_wait3A_266 : memref<10240x64xbf16, #tpu.memory_space<vmem_shared>>)
        tpu.yield
      }) : () -> ()
      %add3A_115 = arith.constant 8 : i32
      %add3A_116 = arith.addi %add3A_105, %add3A_115 : i32
      %lt3A_117 = arith.constant 160 : i32
      %lt3A_118 = arith.cmpi slt, %add3A_116, %lt3A_117 : i32
      %convert_element_type3A_119 = arith.extui %lt3A_118 : i1 to i32
      %cond3A_120 = arith.constant 0 : i32
      %cond3A_121 = arith.cmpi ne, %convert_element_type3A_119, %cond3A_120 : i32
      scf.if %cond3A_121 {
        %add3A_255 = arith.constant 8 : i32
        %add3A_256 = arith.addi %add3A_105, %add3A_255 : i32
        %dma_start3A_257 = arith.constant 0 : i32
        %dma_start3A_258 = tpu.memref_slice %arg6[%add3A_256, %dma_start3A_257] : memref<160x128xi32, #tpu.memory_space<vmem>> -> memref<1x128xi32, #tpu.memory_space<vmem>>
        %dma_start3A_259 = tpu.memref_squeeze %dma_start3A_258 : memref<1x128xi32, #tpu.memory_space<vmem>> -> memref<128xi32, #tpu.memory_space<vmem>>
        %dma_start3A_260 = arith.constant 0 : i32
        %dma_start3A_261 = arith.constant 0 : i32
        %dma_start3A_262 = tpu.memref_slice %arg4[%arg0, %dma_start3A_260, %dma_start3A_261] : memref<2x10000x64xbf16, #tpu.memory_space<hbm>> -> memref<1x10000x64xbf16, #tpu.memory_space<hbm>>
        %dma_start3A_263 = tpu.memref_squeeze %dma_start3A_262 : memref<1x10000x64xbf16, #tpu.memory_space<hbm>> -> memref<10000x64xbf16, #tpu.memory_space<hbm>>
        %dma_start3A_264 = arith.constant 0 : i32
        %dma_start3A_265 = arith.constant 0 : i32
        %dma_start3A_266 = tpu.memref_slice %dma_start3A_263[%dma_start3A_264, %dma_start3A_265] : memref<10000x64xbf16, #tpu.memory_space<hbm>> -> memref<10000x64xbf16, #tpu.memory_space<hbm>>
        tpu.enqueue_indirect_dma source(%dma_start3A_266 : memref<10000x64xbf16, #tpu.memory_space<hbm>>) target(%arg8 : memref<128x64xbf16, #tpu.memory_space<vmem>>) offsets(%dma_start3A_259 : memref<128xi32, #tpu.memory_space<vmem>>) semaphore(%arg18 : memref<!tpu.dma_semaphore, #tpu.memory_space<semaphore_mem>>)
      } else {
      }
      %add3A_122 = arith.constant 1 : i32
      %add3A_123 = arith.addi %mul3A_104, %add3A_122 : i32
      %dma_wait3A_124 = arith.constant 0 : i32
      %dma_wait3A_125 = tpu.memref_slice %arg6[%add3A_123, %dma_wait3A_124] : memref<160x128xi32, #tpu.memory_space<vmem>> -> memref<1x128xi32, #tpu.memory_space<vmem>>
      %dma_wait3A_126 = tpu.memref_squeeze %dma_wait3A_125 : memref<1x128xi32, #tpu.memory_space<vmem>> -> memref<128xi32, #tpu.memory_space<vmem>>
      %dma_wait3A_127 = arith.constant 0 : i32
      %dma_wait3A_128 = arith.constant 0 : i32
      %dma_wait3A_129 = tpu.memref_slice %arg4[%arg0, %dma_wait3A_127, %dma_wait3A_128] : memref<2x10000x64xbf16, #tpu.memory_space<hbm>> -> memref<1x10000x64xbf16, #tpu.memory_space<hbm>>
      %dma_wait3A_130 = tpu.memref_squeeze %dma_wait3A_129 : memref<1x10000x64xbf16, #tpu.memory_space<hbm>> -> memref<10000x64xbf16, #tpu.memory_space<hbm>>
      %dma_wait3A_131 = arith.constant 0 : i32
      %dma_wait3A_132 = arith.constant 0 : i32
      %dma_wait3A_133 = tpu.memref_slice %dma_wait3A_130[%dma_wait3A_131, %dma_wait3A_132] : memref<10000x64xbf16, #tpu.memory_space<hbm>> -> memref<10000x64xbf16, #tpu.memory_space<hbm>>
      tpu.wait_indirect_dma semaphore(%arg19 : memref<!tpu.dma_semaphore, #tpu.memory_space<semaphore_mem>>) src(%dma_wait3A_133 : memref<10000x64xbf16, #tpu.memory_space<hbm>>) dst(%arg9 : memref<128x64xbf16, #tpu.memory_space<vmem>>)
      "tpu.region"() ({
        %run_scoped3A = tpu.sem_alloc : memref<!tpu.dma_semaphore, #tpu.memory_space<semaphore_mem>>
        %dma_start3A_255 = arith.constant 0 : i32
        %dma_start3A_256 = tpu.memref_slice %arg7[%add3A_123, %dma_start3A_255] : memref<160x128xi32, #tpu.memory_space<vmem>> -> memref<1x128xi32, #tpu.memory_space<vmem>>
        %dma_start3A_257 = tpu.memref_squeeze %dma_start3A_256 : memref<1x128xi32, #tpu.memory_space<vmem>> -> memref<128xi32, #tpu.memory_space<vmem>>
        %dma_start3A_258 = arith.constant 0 : i32
        %dma_start3A_259 = arith.constant 0 : i32
        %dma_start3A_260 = tpu.memref_slice %arg17[%dma_start3A_258, %dma_start3A_259] : memref<10240x64xbf16, #tpu.memory_space<vmem_shared>> -> memref<10240x64xbf16, #tpu.memory_space<vmem_shared>>
        tpu.enqueue_indirect_dma source(%arg9 : memref<128x64xbf16, #tpu.memory_space<vmem>>) target(%dma_start3A_260 : memref<10240x64xbf16, #tpu.memory_space<vmem_shared>>) offsets(%dma_start3A_257 : memref<128xi32, #tpu.memory_space<vmem>>) semaphore(%run_scoped3A : memref<!tpu.dma_semaphore, #tpu.memory_space<semaphore_mem>>) {add = true}
        %dma_wait3A_261 = arith.constant 0 : i32
        %dma_wait3A_262 = tpu.memref_slice %arg7[%add3A_123, %dma_wait3A_261] : memref<160x128xi32, #tpu.memory_space<vmem>> -> memref<1x128xi32, #tpu.memory_space<vmem>>
        %dma_wait3A_263 = tpu.memref_squeeze %dma_wait3A_262 : memref<1x128xi32, #tpu.memory_space<vmem>> -> memref<128xi32, #tpu.memory_space<vmem>>
        %dma_wait3A_264 = arith.constant 0 : i32
        %dma_wait3A_265 = arith.constant 0 : i32
        %dma_wait3A_266 = tpu.memref_slice %arg17[%dma_wait3A_264, %dma_wait3A_265] : memref<10240x64xbf16, #tpu.memory_space<vmem_shared>> -> memref<10240x64xbf16, #tpu.memory_space<vmem_shared>>
        tpu.wait_indirect_dma semaphore(%run_scoped3A : memref<!tpu.dma_semaphore, #tpu.memory_space<semaphore_mem>>) src(%arg9 : memref<128x64xbf16, #tpu.memory_space<vmem>>) dst(%dma_wait3A_266 : memref<10240x64xbf16, #tpu.memory_space<vmem_shared>>)
        tpu.yield
      }) : () -> ()
      %add3A_134 = arith.constant 8 : i32
      %add3A_135 = arith.addi %add3A_123, %add3A_134 : i32
      %lt3A_136 = arith.constant 160 : i32
      %lt3A_137 = arith.cmpi slt, %add3A_135, %lt3A_136 : i32
      %convert_element_type3A_138 = arith.extui %lt3A_137 : i1 to i32
      %cond3A_139 = arith.constant 0 : i32
      %cond3A_140 = arith.cmpi ne, %convert_element_type3A_138, %cond3A_139 : i32
      scf.if %cond3A_140 {
        %add3A_255 = arith.constant 8 : i32
        %add3A_256 = arith.addi %add3A_123, %add3A_255 : i32
        %dma_start3A_257 = arith.constant 0 : i32
        %dma_start3A_258 = tpu.memref_slice %arg6[%add3A_256, %dma_start3A_257] : memref<160x128xi32, #tpu.memory_space<vmem>> -> memref<1x128xi32, #tpu.memory_space<vmem>>
        %dma_start3A_259 = tpu.memref_squeeze %dma_start3A_258 : memref<1x128xi32, #tpu.memory_space<vmem>> -> memref<128xi32, #tpu.memory_space<vmem>>
        %dma_start3A_260 = arith.constant 0 : i32
        %dma_start3A_261 = arith.constant 0 : i32
        %dma_start3A_262 = tpu.memref_slice %arg4[%arg0, %dma_start3A_260, %dma_start3A_261] : memref<2x10000x64xbf16, #tpu.memory_space<hbm>> -> memref<1x10000x64xbf16, #tpu.memory_space<hbm>>
        %dma_start3A_263 = tpu.memref_squeeze %dma_start3A_262 : memref<1x10000x64xbf16, #tpu.memory_space<hbm>> -> memref<10000x64xbf16, #tpu.memory_space<hbm>>
        %dma_start3A_264 = arith.constant 0 : i32
        %dma_start3A_265 = arith.constant 0 : i32
        %dma_start3A_266 = tpu.memref_slice %dma_start3A_263[%dma_start3A_264, %dma_start3A_265] : memref<10000x64xbf16, #tpu.memory_space<hbm>> -> memref<10000x64xbf16, #tpu.memory_space<hbm>>
        tpu.enqueue_indirect_dma source(%dma_start3A_266 : memref<10000x64xbf16, #tpu.memory_space<hbm>>) target(%arg9 : memref<128x64xbf16, #tpu.memory_space<vmem>>) offsets(%dma_start3A_259 : memref<128xi32, #tpu.memory_space<vmem>>) semaphore(%arg19 : memref<!tpu.dma_semaphore, #tpu.memory_space<semaphore_mem>>)
      } else {
      }
      %add3A_141 = arith.constant 2 : i32
      %add3A_142 = arith.addi %mul3A_104, %add3A_141 : i32
      %dma_wait3A_143 = arith.constant 0 : i32
      %dma_wait3A_144 = tpu.memref_slice %arg6[%add3A_142, %dma_wait3A_143] : memref<160x128xi32, #tpu.memory_space<vmem>> -> memref<1x128xi32, #tpu.memory_space<vmem>>
      %dma_wait3A_145 = tpu.memref_squeeze %dma_wait3A_144 : memref<1x128xi32, #tpu.memory_space<vmem>> -> memref<128xi32, #tpu.memory_space<vmem>>
      %dma_wait3A_146 = arith.constant 0 : i32
      %dma_wait3A_147 = arith.constant 0 : i32
      %dma_wait3A_148 = tpu.memref_slice %arg4[%arg0, %dma_wait3A_146, %dma_wait3A_147] : memref<2x10000x64xbf16, #tpu.memory_space<hbm>> -> memref<1x10000x64xbf16, #tpu.memory_space<hbm>>
      %dma_wait3A_149 = tpu.memref_squeeze %dma_wait3A_148 : memref<1x10000x64xbf16, #tpu.memory_space<hbm>> -> memref<10000x64xbf16, #tpu.memory_space<hbm>>
      %dma_wait3A_150 = arith.constant 0 : i32
      %dma_wait3A_151 = arith.constant 0 : i32
      %dma_wait3A_152 = tpu.memref_slice %dma_wait3A_149[%dma_wait3A_150, %dma_wait3A_151] : memref<10000x64xbf16, #tpu.memory_space<hbm>> -> memref<10000x64xbf16, #tpu.memory_space<hbm>>
      tpu.wait_indirect_dma semaphore(%arg20 : memref<!tpu.dma_semaphore, #tpu.memory_space<semaphore_mem>>) src(%dma_wait3A_152 : memref<10000x64xbf16, #tpu.memory_space<hbm>>) dst(%arg10 : memref<128x64xbf16, #tpu.memory_space<vmem>>)
      "tpu.region"() ({
        %run_scoped3A = tpu.sem_alloc : memref<!tpu.dma_semaphore, #tpu.memory_space<semaphore_mem>>
        %dma_start3A_255 = arith.constant 0 : i32
        %dma_start3A_256 = tpu.memref_slice %arg7[%add3A_142, %dma_start3A_255] : memref<160x128xi32, #tpu.memory_space<vmem>> -> memref<1x128xi32, #tpu.memory_space<vmem>>
        %dma_start3A_257 = tpu.memref_squeeze %dma_start3A_256 : memref<1x128xi32, #tpu.memory_space<vmem>> -> memref<128xi32, #tpu.memory_space<vmem>>
        %dma_start3A_258 = arith.constant 0 : i32
        %dma_start3A_259 = arith.constant 0 : i32
        %dma_start3A_260 = tpu.memref_slice %arg17[%dma_start3A_258, %dma_start3A_259] : memref<10240x64xbf16, #tpu.memory_space<vmem_shared>> -> memref<10240x64xbf16, #tpu.memory_space<vmem_shared>>
        tpu.enqueue_indirect_dma source(%arg10 : memref<128x64xbf16, #tpu.memory_space<vmem>>) target(%dma_start3A_260 : memref<10240x64xbf16, #tpu.memory_space<vmem_shared>>) offsets(%dma_start3A_257 : memref<128xi32, #tpu.memory_space<vmem>>) semaphore(%run_scoped3A : memref<!tpu.dma_semaphore, #tpu.memory_space<semaphore_mem>>) {add = true}
        %dma_wait3A_261 = arith.constant 0 : i32
        %dma_wait3A_262 = tpu.memref_slice %arg7[%add3A_142, %dma_wait3A_261] : memref<160x128xi32, #tpu.memory_space<vmem>> -> memref<1x128xi32, #tpu.memory_space<vmem>>
        %dma_wait3A_263 = tpu.memref_squeeze %dma_wait3A_262 : memref<1x128xi32, #tpu.memory_space<vmem>> -> memref<128xi32, #tpu.memory_space<vmem>>
        %dma_wait3A_264 = arith.constant 0 : i32
        %dma_wait3A_265 = arith.constant 0 : i32
        %dma_wait3A_266 = tpu.memref_slice %arg17[%dma_wait3A_264, %dma_wait3A_265] : memref<10240x64xbf16, #tpu.memory_space<vmem_shared>> -> memref<10240x64xbf16, #tpu.memory_space<vmem_shared>>
        tpu.wait_indirect_dma semaphore(%run_scoped3A : memref<!tpu.dma_semaphore, #tpu.memory_space<semaphore_mem>>) src(%arg10 : memref<128x64xbf16, #tpu.memory_space<vmem>>) dst(%dma_wait3A_266 : memref<10240x64xbf16, #tpu.memory_space<vmem_shared>>)
        tpu.yield
      }) : () -> ()
      %add3A_153 = arith.constant 8 : i32
      %add3A_154 = arith.addi %add3A_142, %add3A_153 : i32
      %lt3A_155 = arith.constant 160 : i32
      %lt3A_156 = arith.cmpi slt, %add3A_154, %lt3A_155 : i32
      %convert_element_type3A_157 = arith.extui %lt3A_156 : i1 to i32
      %cond3A_158 = arith.constant 0 : i32
      %cond3A_159 = arith.cmpi ne, %convert_element_type3A_157, %cond3A_158 : i32
      scf.if %cond3A_159 {
        %add3A_255 = arith.constant 8 : i32
        %add3A_256 = arith.addi %add3A_142, %add3A_255 : i32
        %dma_start3A_257 = arith.constant 0 : i32
        %dma_start3A_258 = tpu.memref_slice %arg6[%add3A_256, %dma_start3A_257] : memref<160x128xi32, #tpu.memory_space<vmem>> -> memref<1x128xi32, #tpu.memory_space<vmem>>
        %dma_start3A_259 = tpu.memref_squeeze %dma_start3A_258 : memref<1x128xi32, #tpu.memory_space<vmem>> -> memref<128xi32, #tpu.memory_space<vmem>>
        %dma_start3A_260 = arith.constant 0 : i32
        %dma_start3A_261 = arith.constant 0 : i32
        %dma_start3A_262 = tpu.memref_slice %arg4[%arg0, %dma_start3A_260, %dma_start3A_261] : memref<2x10000x64xbf16, #tpu.memory_space<hbm>> -> memref<1x10000x64xbf16, #tpu.memory_space<hbm>>
        %dma_start3A_263 = tpu.memref_squeeze %dma_start3A_262 : memref<1x10000x64xbf16, #tpu.memory_space<hbm>> -> memref<10000x64xbf16, #tpu.memory_space<hbm>>
        %dma_start3A_264 = arith.constant 0 : i32
        %dma_start3A_265 = arith.constant 0 : i32
        %dma_start3A_266 = tpu.memref_slice %dma_start3A_263[%dma_start3A_264, %dma_start3A_265] : memref<10000x64xbf16, #tpu.memory_space<hbm>> -> memref<10000x64xbf16, #tpu.memory_space<hbm>>
        tpu.enqueue_indirect_dma source(%dma_start3A_266 : memref<10000x64xbf16, #tpu.memory_space<hbm>>) target(%arg10 : memref<128x64xbf16, #tpu.memory_space<vmem>>) offsets(%dma_start3A_259 : memref<128xi32, #tpu.memory_space<vmem>>) semaphore(%arg20 : memref<!tpu.dma_semaphore, #tpu.memory_space<semaphore_mem>>)
      } else {
      }
      %add3A_160 = arith.constant 3 : i32
      %add3A_161 = arith.addi %mul3A_104, %add3A_160 : i32
      %dma_wait3A_162 = arith.constant 0 : i32
      %dma_wait3A_163 = tpu.memref_slice %arg6[%add3A_161, %dma_wait3A_162] : memref<160x128xi32, #tpu.memory_space<vmem>> -> memref<1x128xi32, #tpu.memory_space<vmem>>
      %dma_wait3A_164 = tpu.memref_squeeze %dma_wait3A_163 : memref<1x128xi32, #tpu.memory_space<vmem>> -> memref<128xi32, #tpu.memory_space<vmem>>
      %dma_wait3A_165 = arith.constant 0 : i32
      %dma_wait3A_166 = arith.constant 0 : i32
      %dma_wait3A_167 = tpu.memref_slice %arg4[%arg0, %dma_wait3A_165, %dma_wait3A_166] : memref<2x10000x64xbf16, #tpu.memory_space<hbm>> -> memref<1x10000x64xbf16, #tpu.memory_space<hbm>>
      %dma_wait3A_168 = tpu.memref_squeeze %dma_wait3A_167 : memref<1x10000x64xbf16, #tpu.memory_space<hbm>> -> memref<10000x64xbf16, #tpu.memory_space<hbm>>
      %dma_wait3A_169 = arith.constant 0 : i32
      %dma_wait3A_170 = arith.constant 0 : i32
      %dma_wait3A_171 = tpu.memref_slice %dma_wait3A_168[%dma_wait3A_169, %dma_wait3A_170] : memref<10000x64xbf16, #tpu.memory_space<hbm>> -> memref<10000x64xbf16, #tpu.memory_space<hbm>>
      tpu.wait_indirect_dma semaphore(%arg21 : memref<!tpu.dma_semaphore, #tpu.memory_space<semaphore_mem>>) src(%dma_wait3A_171 : memref<10000x64xbf16, #tpu.memory_space<hbm>>) dst(%arg11 : memref<128x64xbf16, #tpu.memory_space<vmem>>)
      "tpu.region"() ({
        %run_scoped3A = tpu.sem_alloc : memref<!tpu.dma_semaphore, #tpu.memory_space<semaphore_mem>>
        %dma_start3A_255 = arith.constant 0 : i32
        %dma_start3A_256 = tpu.memref_slice %arg7[%add3A_161, %dma_start3A_255] : memref<160x128xi32, #tpu.memory_space<vmem>> -> memref<1x128xi32, #tpu.memory_space<vmem>>
        %dma_start3A_257 = tpu.memref_squeeze %dma_start3A_256 : memref<1x128xi32, #tpu.memory_space<vmem>> -> memref<128xi32, #tpu.memory_space<vmem>>
        %dma_start3A_258 = arith.constant 0 : i32
        %dma_start3A_259 = arith.constant 0 : i32
        %dma_start3A_260 = tpu.memref_slice %arg17[%dma_start3A_258, %dma_start3A_259] : memref<10240x64xbf16, #tpu.memory_space<vmem_shared>> -> memref<10240x64xbf16, #tpu.memory_space<vmem_shared>>
        tpu.enqueue_indirect_dma source(%arg11 : memref<128x64xbf16, #tpu.memory_space<vmem>>) target(%dma_start3A_260 : memref<10240x64xbf16, #tpu.memory_space<vmem_shared>>) offsets(%dma_start3A_257 : memref<128xi32, #tpu.memory_space<vmem>>) semaphore(%run_scoped3A : memref<!tpu.dma_semaphore, #tpu.memory_space<semaphore_mem>>) {add = true}
        %dma_wait3A_261 = arith.constant 0 : i32
        %dma_wait3A_262 = tpu.memref_slice %arg7[%add3A_161, %dma_wait3A_261] : memref<160x128xi32, #tpu.memory_space<vmem>> -> memref<1x128xi32, #tpu.memory_space<vmem>>
        %dma_wait3A_263 = tpu.memref_squeeze %dma_wait3A_262 : memref<1x128xi32, #tpu.memory_space<vmem>> -> memref<128xi32, #tpu.memory_space<vmem>>
        %dma_wait3A_264 = arith.constant 0 : i32
        %dma_wait3A_265 = arith.constant 0 : i32
        %dma_wait3A_266 = tpu.memref_slice %arg17[%dma_wait3A_264, %dma_wait3A_265] : memref<10240x64xbf16, #tpu.memory_space<vmem_shared>> -> memref<10240x64xbf16, #tpu.memory_space<vmem_shared>>
        tpu.wait_indirect_dma semaphore(%run_scoped3A : memref<!tpu.dma_semaphore, #tpu.memory_space<semaphore_mem>>) src(%arg11 : memref<128x64xbf16, #tpu.memory_space<vmem>>) dst(%dma_wait3A_266 : memref<10240x64xbf16, #tpu.memory_space<vmem_shared>>)
        tpu.yield
      }) : () -> ()
      %add3A_172 = arith.constant 8 : i32
      %add3A_173 = arith.addi %add3A_161, %add3A_172 : i32
      %lt3A_174 = arith.constant 160 : i32
      %lt3A_175 = arith.cmpi slt, %add3A_173, %lt3A_174 : i32
      %convert_element_type3A_176 = arith.extui %lt3A_175 : i1 to i32
      %cond3A_177 = arith.constant 0 : i32
      %cond3A_178 = arith.cmpi ne, %convert_element_type3A_176, %cond3A_177 : i32
      scf.if %cond3A_178 {
        %add3A_255 = arith.constant 8 : i32
        %add3A_256 = arith.addi %add3A_161, %add3A_255 : i32
        %dma_start3A_257 = arith.constant 0 : i32
        %dma_start3A_258 = tpu.memref_slice %arg6[%add3A_256, %dma_start3A_257] : memref<160x128xi32, #tpu.memory_space<vmem>> -> memref<1x128xi32, #tpu.memory_space<vmem>>
        %dma_start3A_259 = tpu.memref_squeeze %dma_start3A_258 : memref<1x128xi32, #tpu.memory_space<vmem>> -> memref<128xi32, #tpu.memory_space<vmem>>
        %dma_start3A_260 = arith.constant 0 : i32
        %dma_start3A_261 = arith.constant 0 : i32
        %dma_start3A_262 = tpu.memref_slice %arg4[%arg0, %dma_start3A_260, %dma_start3A_261] : memref<2x10000x64xbf16, #tpu.memory_space<hbm>> -> memref<1x10000x64xbf16, #tpu.memory_space<hbm>>
        %dma_start3A_263 = tpu.memref_squeeze %dma_start3A_262 : memref<1x10000x64xbf16, #tpu.memory_space<hbm>> -> memref<10000x64xbf16, #tpu.memory_space<hbm>>
        %dma_start3A_264 = arith.constant 0 : i32
        %dma_start3A_265 = arith.constant 0 : i32
        %dma_start3A_266 = tpu.memref_slice %dma_start3A_263[%dma_start3A_264, %dma_start3A_265] : memref<10000x64xbf16, #tpu.memory_space<hbm>> -> memref<10000x64xbf16, #tpu.memory_space<hbm>>
        tpu.enqueue_indirect_dma source(%dma_start3A_266 : memref<10000x64xbf16, #tpu.memory_space<hbm>>) target(%arg11 : memref<128x64xbf16, #tpu.memory_space<vmem>>) offsets(%dma_start3A_259 : memref<128xi32, #tpu.memory_space<vmem>>) semaphore(%arg21 : memref<!tpu.dma_semaphore, #tpu.memory_space<semaphore_mem>>)
      } else {
      }
      %add3A_179 = arith.constant 4 : i32
      %add3A_180 = arith.addi %mul3A_104, %add3A_179 : i32
      %dma_wait3A_181 = arith.constant 0 : i32
      %dma_wait3A_182 = tpu.memref_slice %arg6[%add3A_180, %dma_wait3A_181] : memref<160x128xi32, #tpu.memory_space<vmem>> -> memref<1x128xi32, #tpu.memory_space<vmem>>
      %dma_wait3A_183 = tpu.memref_squeeze %dma_wait3A_182 : memref<1x128xi32, #tpu.memory_space<vmem>> -> memref<128xi32, #tpu.memory_space<vmem>>
      %dma_wait3A_184 = arith.constant 0 : i32
      %dma_wait3A_185 = arith.constant 0 : i32
      %dma_wait3A_186 = tpu.memref_slice %arg4[%arg0, %dma_wait3A_184, %dma_wait3A_185] : memref<2x10000x64xbf16, #tpu.memory_space<hbm>> -> memref<1x10000x64xbf16, #tpu.memory_space<hbm>>
      %dma_wait3A_187 = tpu.memref_squeeze %dma_wait3A_186 : memref<1x10000x64xbf16, #tpu.memory_space<hbm>> -> memref<10000x64xbf16, #tpu.memory_space<hbm>>
      %dma_wait3A_188 = arith.constant 0 : i32
      %dma_wait3A_189 = arith.constant 0 : i32
      %dma_wait3A_190 = tpu.memref_slice %dma_wait3A_187[%dma_wait3A_188, %dma_wait3A_189] : memref<10000x64xbf16, #tpu.memory_space<hbm>> -> memref<10000x64xbf16, #tpu.memory_space<hbm>>
      tpu.wait_indirect_dma semaphore(%arg22 : memref<!tpu.dma_semaphore, #tpu.memory_space<semaphore_mem>>) src(%dma_wait3A_190 : memref<10000x64xbf16, #tpu.memory_space<hbm>>) dst(%arg12 : memref<128x64xbf16, #tpu.memory_space<vmem>>)
      "tpu.region"() ({
        %run_scoped3A = tpu.sem_alloc : memref<!tpu.dma_semaphore, #tpu.memory_space<semaphore_mem>>
        %dma_start3A_255 = arith.constant 0 : i32
        %dma_start3A_256 = tpu.memref_slice %arg7[%add3A_180, %dma_start3A_255] : memref<160x128xi32, #tpu.memory_space<vmem>> -> memref<1x128xi32, #tpu.memory_space<vmem>>
        %dma_start3A_257 = tpu.memref_squeeze %dma_start3A_256 : memref<1x128xi32, #tpu.memory_space<vmem>> -> memref<128xi32, #tpu.memory_space<vmem>>
        %dma_start3A_258 = arith.constant 0 : i32
        %dma_start3A_259 = arith.constant 0 : i32
        %dma_start3A_260 = tpu.memref_slice %arg17[%dma_start3A_258, %dma_start3A_259] : memref<10240x64xbf16, #tpu.memory_space<vmem_shared>> -> memref<10240x64xbf16, #tpu.memory_space<vmem_shared>>
        tpu.enqueue_indirect_dma source(%arg12 : memref<128x64xbf16, #tpu.memory_space<vmem>>) target(%dma_start3A_260 : memref<10240x64xbf16, #tpu.memory_space<vmem_shared>>) offsets(%dma_start3A_257 : memref<128xi32, #tpu.memory_space<vmem>>) semaphore(%run_scoped3A : memref<!tpu.dma_semaphore, #tpu.memory_space<semaphore_mem>>) {add = true}
        %dma_wait3A_261 = arith.constant 0 : i32
        %dma_wait3A_262 = tpu.memref_slice %arg7[%add3A_180, %dma_wait3A_261] : memref<160x128xi32, #tpu.memory_space<vmem>> -> memref<1x128xi32, #tpu.memory_space<vmem>>
        %dma_wait3A_263 = tpu.memref_squeeze %dma_wait3A_262 : memref<1x128xi32, #tpu.memory_space<vmem>> -> memref<128xi32, #tpu.memory_space<vmem>>
        %dma_wait3A_264 = arith.constant 0 : i32
        %dma_wait3A_265 = arith.constant 0 : i32
        %dma_wait3A_266 = tpu.memref_slice %arg17[%dma_wait3A_264, %dma_wait3A_265] : memref<10240x64xbf16, #tpu.memory_space<vmem_shared>> -> memref<10240x64xbf16, #tpu.memory_space<vmem_shared>>
        tpu.wait_indirect_dma semaphore(%run_scoped3A : memref<!tpu.dma_semaphore, #tpu.memory_space<semaphore_mem>>) src(%arg12 : memref<128x64xbf16, #tpu.memory_space<vmem>>) dst(%dma_wait3A_266 : memref<10240x64xbf16, #tpu.memory_space<vmem_shared>>)
        tpu.yield
      }) : () -> ()
      %add3A_191 = arith.constant 8 : i32
      %add3A_192 = arith.addi %add3A_180, %add3A_191 : i32
      %lt3A_193 = arith.constant 160 : i32
      %lt3A_194 = arith.cmpi slt, %add3A_192, %lt3A_193 : i32
      %convert_element_type3A_195 = arith.extui %lt3A_194 : i1 to i32
      %cond3A_196 = arith.constant 0 : i32
      %cond3A_197 = arith.cmpi ne, %convert_element_type3A_195, %cond3A_196 : i32
      scf.if %cond3A_197 {
        %add3A_255 = arith.constant 8 : i32
        %add3A_256 = arith.addi %add3A_180, %add3A_255 : i32
        %dma_start3A_257 = arith.constant 0 : i32
        %dma_start3A_258 = tpu.memref_slice %arg6[%add3A_256, %dma_start3A_257] : memref<160x128xi32, #tpu.memory_space<vmem>> -> memref<1x128xi32, #tpu.memory_space<vmem>>
        %dma_start3A_259 = tpu.memref_squeeze %dma_start3A_258 : memref<1x128xi32, #tpu.memory_space<vmem>> -> memref<128xi32, #tpu.memory_space<vmem>>
        %dma_start3A_260 = arith.constant 0 : i32
        %dma_start3A_261 = arith.constant 0 : i32
        %dma_start3A_262 = tpu.memref_slice %arg4[%arg0, %dma_start3A_260, %dma_start3A_261] : memref<2x10000x64xbf16, #tpu.memory_space<hbm>> -> memref<1x10000x64xbf16, #tpu.memory_space<hbm>>
        %dma_start3A_263 = tpu.memref_squeeze %dma_start3A_262 : memref<1x10000x64xbf16, #tpu.memory_space<hbm>> -> memref<10000x64xbf16, #tpu.memory_space<hbm>>
        %dma_start3A_264 = arith.constant 0 : i32
        %dma_start3A_265 = arith.constant 0 : i32
        %dma_start3A_266 = tpu.memref_slice %dma_start3A_263[%dma_start3A_264, %dma_start3A_265] : memref<10000x64xbf16, #tpu.memory_space<hbm>> -> memref<10000x64xbf16, #tpu.memory_space<hbm>>
        tpu.enqueue_indirect_dma source(%dma_start3A_266 : memref<10000x64xbf16, #tpu.memory_space<hbm>>) target(%arg12 : memref<128x64xbf16, #tpu.memory_space<vmem>>) offsets(%dma_start3A_259 : memref<128xi32, #tpu.memory_space<vmem>>) semaphore(%arg22 : memref<!tpu.dma_semaphore, #tpu.memory_space<semaphore_mem>>)
      } else {
      }
      %add3A_198 = arith.constant 5 : i32
      %add3A_199 = arith.addi %mul3A_104, %add3A_198 : i32
      %dma_wait3A_200 = arith.constant 0 : i32
      %dma_wait3A_201 = tpu.memref_slice %arg6[%add3A_199, %dma_wait3A_200] : memref<160x128xi32, #tpu.memory_space<vmem>> -> memref<1x128xi32, #tpu.memory_space<vmem>>
      %dma_wait3A_202 = tpu.memref_squeeze %dma_wait3A_201 : memref<1x128xi32, #tpu.memory_space<vmem>> -> memref<128xi32, #tpu.memory_space<vmem>>
      %dma_wait3A_203 = arith.constant 0 : i32
      %dma_wait3A_204 = arith.constant 0 : i32
      %dma_wait3A_205 = tpu.memref_slice %arg4[%arg0, %dma_wait3A_203, %dma_wait3A_204] : memref<2x10000x64xbf16, #tpu.memory_space<hbm>> -> memref<1x10000x64xbf16, #tpu.memory_space<hbm>>
      %dma_wait3A_206 = tpu.memref_squeeze %dma_wait3A_205 : memref<1x10000x64xbf16, #tpu.memory_space<hbm>> -> memref<10000x64xbf16, #tpu.memory_space<hbm>>
      %dma_wait3A_207 = arith.constant 0 : i32
      %dma_wait3A_208 = arith.constant 0 : i32
      %dma_wait3A_209 = tpu.memref_slice %dma_wait3A_206[%dma_wait3A_207, %dma_wait3A_208] : memref<10000x64xbf16, #tpu.memory_space<hbm>> -> memref<10000x64xbf16, #tpu.memory_space<hbm>>
      tpu.wait_indirect_dma semaphore(%arg23 : memref<!tpu.dma_semaphore, #tpu.memory_space<semaphore_mem>>) src(%dma_wait3A_209 : memref<10000x64xbf16, #tpu.memory_space<hbm>>) dst(%arg13 : memref<128x64xbf16, #tpu.memory_space<vmem>>)
      "tpu.region"() ({
        %run_scoped3A = tpu.sem_alloc : memref<!tpu.dma_semaphore, #tpu.memory_space<semaphore_mem>>
        %dma_start3A_255 = arith.constant 0 : i32
        %dma_start3A_256 = tpu.memref_slice %arg7[%add3A_199, %dma_start3A_255] : memref<160x128xi32, #tpu.memory_space<vmem>> -> memref<1x128xi32, #tpu.memory_space<vmem>>
        %dma_start3A_257 = tpu.memref_squeeze %dma_start3A_256 : memref<1x128xi32, #tpu.memory_space<vmem>> -> memref<128xi32, #tpu.memory_space<vmem>>
        %dma_start3A_258 = arith.constant 0 : i32
        %dma_start3A_259 = arith.constant 0 : i32
        %dma_start3A_260 = tpu.memref_slice %arg17[%dma_start3A_258, %dma_start3A_259] : memref<10240x64xbf16, #tpu.memory_space<vmem_shared>> -> memref<10240x64xbf16, #tpu.memory_space<vmem_shared>>
        tpu.enqueue_indirect_dma source(%arg13 : memref<128x64xbf16, #tpu.memory_space<vmem>>) target(%dma_start3A_260 : memref<10240x64xbf16, #tpu.memory_space<vmem_shared>>) offsets(%dma_start3A_257 : memref<128xi32, #tpu.memory_space<vmem>>) semaphore(%run_scoped3A : memref<!tpu.dma_semaphore, #tpu.memory_space<semaphore_mem>>) {add = true}
        %dma_wait3A_261 = arith.constant 0 : i32
        %dma_wait3A_262 = tpu.memref_slice %arg7[%add3A_199, %dma_wait3A_261] : memref<160x128xi32, #tpu.memory_space<vmem>> -> memref<1x128xi32, #tpu.memory_space<vmem>>
        %dma_wait3A_263 = tpu.memref_squeeze %dma_wait3A_262 : memref<1x128xi32, #tpu.memory_space<vmem>> -> memref<128xi32, #tpu.memory_space<vmem>>
        %dma_wait3A_264 = arith.constant 0 : i32
        %dma_wait3A_265 = arith.constant 0 : i32
        %dma_wait3A_266 = tpu.memref_slice %arg17[%dma_wait3A_264, %dma_wait3A_265] : memref<10240x64xbf16, #tpu.memory_space<vmem_shared>> -> memref<10240x64xbf16, #tpu.memory_space<vmem_shared>>
        tpu.wait_indirect_dma semaphore(%run_scoped3A : memref<!tpu.dma_semaphore, #tpu.memory_space<semaphore_mem>>) src(%arg13 : memref<128x64xbf16, #tpu.memory_space<vmem>>) dst(%dma_wait3A_266 : memref<10240x64xbf16, #tpu.memory_space<vmem_shared>>)
        tpu.yield
      }) : () -> ()
      %add3A_210 = arith.constant 8 : i32
      %add3A_211 = arith.addi %add3A_199, %add3A_210 : i32
      %lt3A_212 = arith.constant 160 : i32
      %lt3A_213 = arith.cmpi slt, %add3A_211, %lt3A_212 : i32
      %convert_element_type3A_214 = arith.extui %lt3A_213 : i1 to i32
      %cond3A_215 = arith.constant 0 : i32
      %cond3A_216 = arith.cmpi ne, %convert_element_type3A_214, %cond3A_215 : i32
      scf.if %cond3A_216 {
        %add3A_255 = arith.constant 8 : i32
        %add3A_256 = arith.addi %add3A_199, %add3A_255 : i32
        %dma_start3A_257 = arith.constant 0 : i32
        %dma_start3A_258 = tpu.memref_slice %arg6[%add3A_256, %dma_start3A_257] : memref<160x128xi32, #tpu.memory_space<vmem>> -> memref<1x128xi32, #tpu.memory_space<vmem>>
        %dma_start3A_259 = tpu.memref_squeeze %dma_start3A_258 : memref<1x128xi32, #tpu.memory_space<vmem>> -> memref<128xi32, #tpu.memory_space<vmem>>
        %dma_start3A_260 = arith.constant 0 : i32
        %dma_start3A_261 = arith.constant 0 : i32
        %dma_start3A_262 = tpu.memref_slice %arg4[%arg0, %dma_start3A_260, %dma_start3A_261] : memref<2x10000x64xbf16, #tpu.memory_space<hbm>> -> memref<1x10000x64xbf16, #tpu.memory_space<hbm>>
        %dma_start3A_263 = tpu.memref_squeeze %dma_start3A_262 : memref<1x10000x64xbf16, #tpu.memory_space<hbm>> -> memref<10000x64xbf16, #tpu.memory_space<hbm>>
        %dma_start3A_264 = arith.constant 0 : i32
        %dma_start3A_265 = arith.constant 0 : i32
        %dma_start3A_266 = tpu.memref_slice %dma_start3A_263[%dma_start3A_264, %dma_start3A_265] : memref<10000x64xbf16, #tpu.memory_space<hbm>> -> memref<10000x64xbf16, #tpu.memory_space<hbm>>
        tpu.enqueue_indirect_dma source(%dma_start3A_266 : memref<10000x64xbf16, #tpu.memory_space<hbm>>) target(%arg13 : memref<128x64xbf16, #tpu.memory_space<vmem>>) offsets(%dma_start3A_259 : memref<128xi32, #tpu.memory_space<vmem>>) semaphore(%arg23 : memref<!tpu.dma_semaphore, #tpu.memory_space<semaphore_mem>>)
      } else {
      }
      %add3A_217 = arith.constant 6 : i32
      %add3A_218 = arith.addi %mul3A_104, %add3A_217 : i32
      %dma_wait3A_219 = arith.constant 0 : i32
      %dma_wait3A_220 = tpu.memref_slice %arg6[%add3A_218, %dma_wait3A_219] : memref<160x128xi32, #tpu.memory_space<vmem>> -> memref<1x128xi32, #tpu.memory_space<vmem>>
      %dma_wait3A_221 = tpu.memref_squeeze %dma_wait3A_220 : memref<1x128xi32, #tpu.memory_space<vmem>> -> memref<128xi32, #tpu.memory_space<vmem>>
      %dma_wait3A_222 = arith.constant 0 : i32
      %dma_wait3A_223 = arith.constant 0 : i32
      %dma_wait3A_224 = tpu.memref_slice %arg4[%arg0, %dma_wait3A_222, %dma_wait3A_223] : memref<2x10000x64xbf16, #tpu.memory_space<hbm>> -> memref<1x10000x64xbf16, #tpu.memory_space<hbm>>
      %dma_wait3A_225 = tpu.memref_squeeze %dma_wait3A_224 : memref<1x10000x64xbf16, #tpu.memory_space<hbm>> -> memref<10000x64xbf16, #tpu.memory_space<hbm>>
      %dma_wait3A_226 = arith.constant 0 : i32
      %dma_wait3A_227 = arith.constant 0 : i32
      %dma_wait3A_228 = tpu.memref_slice %dma_wait3A_225[%dma_wait3A_226, %dma_wait3A_227] : memref<10000x64xbf16, #tpu.memory_space<hbm>> -> memref<10000x64xbf16, #tpu.memory_space<hbm>>
      tpu.wait_indirect_dma semaphore(%arg24 : memref<!tpu.dma_semaphore, #tpu.memory_space<semaphore_mem>>) src(%dma_wait3A_228 : memref<10000x64xbf16, #tpu.memory_space<hbm>>) dst(%arg14 : memref<128x64xbf16, #tpu.memory_space<vmem>>)
      "tpu.region"() ({
        %run_scoped3A = tpu.sem_alloc : memref<!tpu.dma_semaphore, #tpu.memory_space<semaphore_mem>>
        %dma_start3A_255 = arith.constant 0 : i32
        %dma_start3A_256 = tpu.memref_slice %arg7[%add3A_218, %dma_start3A_255] : memref<160x128xi32, #tpu.memory_space<vmem>> -> memref<1x128xi32, #tpu.memory_space<vmem>>
        %dma_start3A_257 = tpu.memref_squeeze %dma_start3A_256 : memref<1x128xi32, #tpu.memory_space<vmem>> -> memref<128xi32, #tpu.memory_space<vmem>>
        %dma_start3A_258 = arith.constant 0 : i32
        %dma_start3A_259 = arith.constant 0 : i32
        %dma_start3A_260 = tpu.memref_slice %arg17[%dma_start3A_258, %dma_start3A_259] : memref<10240x64xbf16, #tpu.memory_space<vmem_shared>> -> memref<10240x64xbf16, #tpu.memory_space<vmem_shared>>
        tpu.enqueue_indirect_dma source(%arg14 : memref<128x64xbf16, #tpu.memory_space<vmem>>) target(%dma_start3A_260 : memref<10240x64xbf16, #tpu.memory_space<vmem_shared>>) offsets(%dma_start3A_257 : memref<128xi32, #tpu.memory_space<vmem>>) semaphore(%run_scoped3A : memref<!tpu.dma_semaphore, #tpu.memory_space<semaphore_mem>>) {add = true}
        %dma_wait3A_261 = arith.constant 0 : i32
        %dma_wait3A_262 = tpu.memref_slice %arg7[%add3A_218, %dma_wait3A_261] : memref<160x128xi32, #tpu.memory_space<vmem>> -> memref<1x128xi32, #tpu.memory_space<vmem>>
        %dma_wait3A_263 = tpu.memref_squeeze %dma_wait3A_262 : memref<1x128xi32, #tpu.memory_space<vmem>> -> memref<128xi32, #tpu.memory_space<vmem>>
        %dma_wait3A_264 = arith.constant 0 : i32
        %dma_wait3A_265 = arith.constant 0 : i32
        %dma_wait3A_266 = tpu.memref_slice %arg17[%dma_wait3A_264, %dma_wait3A_265] : memref<10240x64xbf16, #tpu.memory_space<vmem_shared>> -> memref<10240x64xbf16, #tpu.memory_space<vmem_shared>>
        tpu.wait_indirect_dma semaphore(%run_scoped3A : memref<!tpu.dma_semaphore, #tpu.memory_space<semaphore_mem>>) src(%arg14 : memref<128x64xbf16, #tpu.memory_space<vmem>>) dst(%dma_wait3A_266 : memref<10240x64xbf16, #tpu.memory_space<vmem_shared>>)
        tpu.yield
      }) : () -> ()
      %add3A_229 = arith.constant 8 : i32
      %add3A_230 = arith.addi %add3A_218, %add3A_229 : i32
      %lt3A_231 = arith.constant 160 : i32
      %lt3A_232 = arith.cmpi slt, %add3A_230, %lt3A_231 : i32
      %convert_element_type3A_233 = arith.extui %lt3A_232 : i1 to i32
      %cond3A_234 = arith.constant 0 : i32
      %cond3A_235 = arith.cmpi ne, %convert_element_type3A_233, %cond3A_234 : i32
      scf.if %cond3A_235 {
        %add3A_255 = arith.constant 8 : i32
        %add3A_256 = arith.addi %add3A_218, %add3A_255 : i32
        %dma_start3A_257 = arith.constant 0 : i32
        %dma_start3A_258 = tpu.memref_slice %arg6[%add3A_256, %dma_start3A_257] : memref<160x128xi32, #tpu.memory_space<vmem>> -> memref<1x128xi32, #tpu.memory_space<vmem>>
        %dma_start3A_259 = tpu.memref_squeeze %dma_start3A_258 : memref<1x128xi32, #tpu.memory_space<vmem>> -> memref<128xi32, #tpu.memory_space<vmem>>
        %dma_start3A_260 = arith.constant 0 : i32
        %dma_start3A_261 = arith.constant 0 : i32
        %dma_start3A_262 = tpu.memref_slice %arg4[%arg0, %dma_start3A_260, %dma_start3A_261] : memref<2x10000x64xbf16, #tpu.memory_space<hbm>> -> memref<1x10000x64xbf16, #tpu.memory_space<hbm>>
        %dma_start3A_263 = tpu.memref_squeeze %dma_start3A_262 : memref<1x10000x64xbf16, #tpu.memory_space<hbm>> -> memref<10000x64xbf16, #tpu.memory_space<hbm>>
        %dma_start3A_264 = arith.constant 0 : i32
        %dma_start3A_265 = arith.constant 0 : i32
        %dma_start3A_266 = tpu.memref_slice %dma_start3A_263[%dma_start3A_264, %dma_start3A_265] : memref<10000x64xbf16, #tpu.memory_space<hbm>> -> memref<10000x64xbf16, #tpu.memory_space<hbm>>
        tpu.enqueue_indirect_dma source(%dma_start3A_266 : memref<10000x64xbf16, #tpu.memory_space<hbm>>) target(%arg14 : memref<128x64xbf16, #tpu.memory_space<vmem>>) offsets(%dma_start3A_259 : memref<128xi32, #tpu.memory_space<vmem>>) semaphore(%arg24 : memref<!tpu.dma_semaphore, #tpu.memory_space<semaphore_mem>>)
      } else {
      }
      %add3A_236 = arith.constant 7 : i32
      %add3A_237 = arith.addi %mul3A_104, %add3A_236 : i32
      %dma_wait3A_238 = arith.constant 0 : i32
      %dma_wait3A_239 = tpu.memref_slice %arg6[%add3A_237, %dma_wait3A_238] : memref<160x128xi32, #tpu.memory_space<vmem>> -> memref<1x128xi32, #tpu.memory_space<vmem>>
      %dma_wait3A_240 = tpu.memref_squeeze %dma_wait3A_239 : memref<1x128xi32, #tpu.memory_space<vmem>> -> memref<128xi32, #tpu.memory_space<vmem>>
      %dma_wait3A_241 = arith.constant 0 : i32
      %dma_wait3A_242 = arith.constant 0 : i32
      %dma_wait3A_243 = tpu.memref_slice %arg4[%arg0, %dma_wait3A_241, %dma_wait3A_242] : memref<2x10000x64xbf16, #tpu.memory_space<hbm>> -> memref<1x10000x64xbf16, #tpu.memory_space<hbm>>
      %dma_wait3A_244 = tpu.memref_squeeze %dma_wait3A_243 : memref<1x10000x64xbf16, #tpu.memory_space<hbm>> -> memref<10000x64xbf16, #tpu.memory_space<hbm>>
      %dma_wait3A_245 = arith.constant 0 : i32
      %dma_wait3A_246 = arith.constant 0 : i32
      %dma_wait3A_247 = tpu.memref_slice %dma_wait3A_244[%dma_wait3A_245, %dma_wait3A_246] : memref<10000x64xbf16, #tpu.memory_space<hbm>> -> memref<10000x64xbf16, #tpu.memory_space<hbm>>
      tpu.wait_indirect_dma semaphore(%arg25 : memref<!tpu.dma_semaphore, #tpu.memory_space<semaphore_mem>>) src(%dma_wait3A_247 : memref<10000x64xbf16, #tpu.memory_space<hbm>>) dst(%arg15 : memref<128x64xbf16, #tpu.memory_space<vmem>>)
      "tpu.region"() ({
        %run_scoped3A = tpu.sem_alloc : memref<!tpu.dma_semaphore, #tpu.memory_space<semaphore_mem>>
        %dma_start3A_255 = arith.constant 0 : i32
        %dma_start3A_256 = tpu.memref_slice %arg7[%add3A_237, %dma_start3A_255] : memref<160x128xi32, #tpu.memory_space<vmem>> -> memref<1x128xi32, #tpu.memory_space<vmem>>
        %dma_start3A_257 = tpu.memref_squeeze %dma_start3A_256 : memref<1x128xi32, #tpu.memory_space<vmem>> -> memref<128xi32, #tpu.memory_space<vmem>>
        %dma_start3A_258 = arith.constant 0 : i32
        %dma_start3A_259 = arith.constant 0 : i32
        %dma_start3A_260 = tpu.memref_slice %arg17[%dma_start3A_258, %dma_start3A_259] : memref<10240x64xbf16, #tpu.memory_space<vmem_shared>> -> memref<10240x64xbf16, #tpu.memory_space<vmem_shared>>
        tpu.enqueue_indirect_dma source(%arg15 : memref<128x64xbf16, #tpu.memory_space<vmem>>) target(%dma_start3A_260 : memref<10240x64xbf16, #tpu.memory_space<vmem_shared>>) offsets(%dma_start3A_257 : memref<128xi32, #tpu.memory_space<vmem>>) semaphore(%run_scoped3A : memref<!tpu.dma_semaphore, #tpu.memory_space<semaphore_mem>>) {add = true}
        %dma_wait3A_261 = arith.constant 0 : i32
        %dma_wait3A_262 = tpu.memref_slice %arg7[%add3A_237, %dma_wait3A_261] : memref<160x128xi32, #tpu.memory_space<vmem>> -> memref<1x128xi32, #tpu.memory_space<vmem>>
        %dma_wait3A_263 = tpu.memref_squeeze %dma_wait3A_262 : memref<1x128xi32, #tpu.memory_space<vmem>> -> memref<128xi32, #tpu.memory_space<vmem>>
        %dma_wait3A_264 = arith.constant 0 : i32
        %dma_wait3A_265 = arith.constant 0 : i32
        %dma_wait3A_266 = tpu.memref_slice %arg17[%dma_wait3A_264, %dma_wait3A_265] : memref<10240x64xbf16, #tpu.memory_space<vmem_shared>> -> memref<10240x64xbf16, #tpu.memory_space<vmem_shared>>
        tpu.wait_indirect_dma semaphore(%run_scoped3A : memref<!tpu.dma_semaphore, #tpu.memory_space<semaphore_mem>>) src(%arg15 : memref<128x64xbf16, #tpu.memory_space<vmem>>) dst(%dma_wait3A_266 : memref<10240x64xbf16, #tpu.memory_space<vmem_shared>>)
        tpu.yield
      }) : () -> ()
      %add3A_248 = arith.constant 8 : i32
      %add3A_249 = arith.addi %add3A_237, %add3A_248 : i32
      %lt3A_250 = arith.constant 160 : i32
      %lt3A_251 = arith.cmpi slt, %add3A_249, %lt3A_250 : i32
      %convert_element_type3A_252 = arith.extui %lt3A_251 : i1 to i32
      %cond3A_253 = arith.constant 0 : i32
      %cond3A_254 = arith.cmpi ne, %convert_element_type3A_252, %cond3A_253 : i32
      scf.if %cond3A_254 {
        %add3A_255 = arith.constant 8 : i32
        %add3A_256 = arith.addi %add3A_237, %add3A_255 : i32
        %dma_start3A_257 = arith.constant 0 : i32
        %dma_start3A_258 = tpu.memref_slice %arg6[%add3A_256, %dma_start3A_257] : memref<160x128xi32, #tpu.memory_space<vmem>> -> memref<1x128xi32, #tpu.memory_space<vmem>>
        %dma_start3A_259 = tpu.memref_squeeze %dma_start3A_258 : memref<1x128xi32, #tpu.memory_space<vmem>> -> memref<128xi32, #tpu.memory_space<vmem>>
        %dma_start3A_260 = arith.constant 0 : i32
        %dma_start3A_261 = arith.constant 0 : i32
        %dma_start3A_262 = tpu.memref_slice %arg4[%arg0, %dma_start3A_260, %dma_start3A_261] : memref<2x10000x64xbf16, #tpu.memory_space<hbm>> -> memref<1x10000x64xbf16, #tpu.memory_space<hbm>>
        %dma_start3A_263 = tpu.memref_squeeze %dma_start3A_262 : memref<1x10000x64xbf16, #tpu.memory_space<hbm>> -> memref<10000x64xbf16, #tpu.memory_space<hbm>>
        %dma_start3A_264 = arith.constant 0 : i32
        %dma_start3A_265 = arith.constant 0 : i32
        %dma_start3A_266 = tpu.memref_slice %dma_start3A_263[%dma_start3A_264, %dma_start3A_265] : memref<10000x64xbf16, #tpu.memory_space<hbm>> -> memref<10000x64xbf16, #tpu.memory_space<hbm>>
        tpu.enqueue_indirect_dma source(%dma_start3A_266 : memref<10000x64xbf16, #tpu.memory_space<hbm>>) target(%arg15 : memref<128x64xbf16, #tpu.memory_space<vmem>>) offsets(%dma_start3A_259 : memref<128xi32, #tpu.memory_space<vmem>>) semaphore(%arg25 : memref<!tpu.dma_semaphore, #tpu.memory_space<semaphore_mem>>)
      } else {
      }
    }
    %scan3A_97 = arith.constant 20 : i32
    %barrier3A_98 = arith.constant 0 : index
    tpu.barrier barrier_id(%barrier3A_98)
    %mul3A = arith.constant 640 : i32
    %mul3A_99 = arith.muli %arg1, %mul3A : i32
    %mul3A_100 = arith.constant 640 : i32
    %mul3A_101 = arith.muli %arg1, %mul3A_100 : i32
    "tpu.region"() ({
      %run_scoped3A = tpu.sem_alloc : memref<!tpu.dma_semaphore, #tpu.memory_space<semaphore_mem>>
      %dma_start3A_102 = arith.constant 0 : i32
      %dma_start3A_103 = tpu.memref_slice %arg5[%arg0, %mul3A_101, %dma_start3A_102] : memref<2x10240x64xbf16, #tpu.memory_space<hbm>> -> memref<1x640x64xbf16, #tpu.memory_space<hbm>>
      %dma_start3A_104 = tpu.memref_squeeze %dma_start3A_103 : memref<1x640x64xbf16, #tpu.memory_space<hbm>> -> memref<640x64xbf16, #tpu.memory_space<hbm>>
      %dma_start3A_105 = arith.constant 0 : i32
      %dma_start3A_106 = tpu.memref_slice %arg17[%mul3A_99, %dma_start3A_105] : memref<10240x64xbf16, #tpu.memory_space<vmem_shared>> -> memref<640x64xbf16, #tpu.memory_space<vmem_shared>>
      tpu.enqueue_dma source(%dma_start3A_106 : memref<640x64xbf16, #tpu.memory_space<vmem_shared>>) target(%dma_start3A_104 : memref<640x64xbf16, #tpu.memory_space<hbm>>) target_semaphore(%run_scoped3A : memref<!tpu.dma_semaphore, #tpu.memory_space<semaphore_mem>>)
      %dma_wait3A = arith.constant 0 : i32
      %dma_wait3A_107 = tpu.memref_slice %arg5[%arg0, %mul3A_101, %dma_wait3A] : memref<2x10240x64xbf16, #tpu.memory_space<hbm>> -> memref<1x640x64xbf16, #tpu.memory_space<hbm>>
      %dma_wait3A_108 = tpu.memref_squeeze %dma_wait3A_107 : memref<1x640x64xbf16, #tpu.memory_space<hbm>> -> memref<640x64xbf16, #tpu.memory_space<hbm>>
      %dma_wait3A_109 = arith.constant 0 : i32
      %dma_wait3A_110 = tpu.memref_slice %arg17[%mul3A_99, %dma_wait3A_109] : memref<10240x64xbf16, #tpu.memory_space<vmem_shared>> -> memref<640x64xbf16, #tpu.memory_space<vmem_shared>>
      tpu.wait_dma2 semaphore(%run_scoped3A : memref<!tpu.dma_semaphore, #tpu.memory_space<semaphore_mem>>) src(%dma_wait3A_110 : memref<640x64xbf16, #tpu.memory_space<vmem_shared>>) dst(%dma_wait3A_108 : memref<640x64xbf16, #tpu.memory_space<hbm>>)
      tpu.yield
    }) : () -> ()
    return
  }
}

module attributes {stable_mosaic.version = 14 : i64} {
  func.func @_kb_body(%arg0: i32, %arg1: memref<2x16x128xf32, #tpu.memory_space<vmem>>, %arg2: memref<2048x128xf32, #tpu.memory_space<vmem>>, %arg3: memref<128x128xf32, #tpu.memory_space<vmem>>, %arg4: memref<2x2048x64xbf16, #tpu.memory_space<vmem>>) attributes {dimension_semantics = [#tpu.dimension_semantics<arbitrary>], iteration_bounds = array<i64: 5>, scalar_prefetch = 0 : i64, scratch_operands = 0 : i64, tpu.core_type = #tpu.core_type<tc>, window_params = [{transform_indices = @transform_0, window_bounds = array<i64: 2, 16, 128>}, {transform_indices = @transform_1, window_bounds = array<i64: 2048, 128>}, {pipeline_mode = #tpu.pipeline_mode<synchronous>, transform_indices = @transform_2, window_bounds = array<i64: 128, 128>}, {transform_indices = @transform_3, window_bounds = array<i64: 2, 2048, 64>}]} {
    %get3A = arith.constant 0 : index
    %get3A_0 = arith.constant 0 : index
    %get3A_1 = arith.constant 0 : index
    %get3A_2 = vector.load %arg1[%get3A, %get3A_0, %get3A_1] : memref<2x16x128xf32, #tpu.memory_space<vmem>>, vector<1x16x128xf32>
    %get3A_3 = vector.shape_cast %get3A_2 : vector<1x16x128xf32> to vector<16x128xf32>
    %get3A_4 = arith.constant 1 : index
    %get3A_5 = arith.constant 0 : index
    %get3A_6 = arith.constant 0 : index
    %get3A_7 = vector.load %arg1[%get3A_4, %get3A_5, %get3A_6] : memref<2x16x128xf32, #tpu.memory_space<vmem>>, vector<1x16x128xf32>
    %get3A_8 = vector.shape_cast %get3A_7 : vector<1x16x128xf32> to vector<16x128xf32>
    %add3A = arith.addf %get3A_3, %get3A_8 : vector<16x128xf32>
    %add3A_9 = arith.constant 1.000000e+00 : f32
    %add3A_10 = vector.broadcast %add3A_9 : f32 to vector<16x128xf32>
    %add3A_11 = arith.addf %add3A, %add3A_10 : vector<16x128xf32>
    %rsqrt3A = math.rsqrt %add3A_11 : vector<16x128xf32>
    %transpose3A = tpu.transpose %rsqrt3A, [1, 0] : vector<16x128xf32> -> vector<128x16xf32>
    %slice3A = vector.extract_strided_slice %transpose3A {offsets = [0, 0], sizes = [128, 1], strides = [1, 1]} : vector<128x16xf32> to vector<128x1xf32>
    %slice3A_12 = vector.extract_strided_slice %transpose3A {offsets = [0, 1], sizes = [128, 1], strides = [1, 1]} : vector<128x16xf32> to vector<128x1xf32>
    %slice3A_13 = vector.extract_strided_slice %transpose3A {offsets = [0, 2], sizes = [128, 1], strides = [1, 1]} : vector<128x16xf32> to vector<128x1xf32>
    %slice3A_14 = vector.extract_strided_slice %transpose3A {offsets = [0, 3], sizes = [128, 1], strides = [1, 1]} : vector<128x16xf32> to vector<128x1xf32>
    %slice3A_15 = vector.extract_strided_slice %transpose3A {offsets = [0, 4], sizes = [128, 1], strides = [1, 1]} : vector<128x16xf32> to vector<128x1xf32>
    %slice3A_16 = vector.extract_strided_slice %transpose3A {offsets = [0, 5], sizes = [128, 1], strides = [1, 1]} : vector<128x16xf32> to vector<128x1xf32>
    %slice3A_17 = vector.extract_strided_slice %transpose3A {offsets = [0, 6], sizes = [128, 1], strides = [1, 1]} : vector<128x16xf32> to vector<128x1xf32>
    %slice3A_18 = vector.extract_strided_slice %transpose3A {offsets = [0, 7], sizes = [128, 1], strides = [1, 1]} : vector<128x16xf32> to vector<128x1xf32>
    %slice3A_19 = vector.extract_strided_slice %transpose3A {offsets = [0, 8], sizes = [128, 1], strides = [1, 1]} : vector<128x16xf32> to vector<128x1xf32>
    %slice3A_20 = vector.extract_strided_slice %transpose3A {offsets = [0, 9], sizes = [128, 1], strides = [1, 1]} : vector<128x16xf32> to vector<128x1xf32>
    %slice3A_21 = vector.extract_strided_slice %transpose3A {offsets = [0, 10], sizes = [128, 1], strides = [1, 1]} : vector<128x16xf32> to vector<128x1xf32>
    %slice3A_22 = vector.extract_strided_slice %transpose3A {offsets = [0, 11], sizes = [128, 1], strides = [1, 1]} : vector<128x16xf32> to vector<128x1xf32>
    %slice3A_23 = vector.extract_strided_slice %transpose3A {offsets = [0, 12], sizes = [128, 1], strides = [1, 1]} : vector<128x16xf32> to vector<128x1xf32>
    %slice3A_24 = vector.extract_strided_slice %transpose3A {offsets = [0, 13], sizes = [128, 1], strides = [1, 1]} : vector<128x16xf32> to vector<128x1xf32>
    %slice3A_25 = vector.extract_strided_slice %transpose3A {offsets = [0, 14], sizes = [128, 1], strides = [1, 1]} : vector<128x16xf32> to vector<128x1xf32>
    %slice3A_26 = vector.extract_strided_slice %transpose3A {offsets = [0, 15], sizes = [128, 1], strides = [1, 1]} : vector<128x16xf32> to vector<128x1xf32>
    %concatenate3A = tpu.concatenate %slice3A, %slice3A_12, %slice3A_13, %slice3A_14, %slice3A_15, %slice3A_16, %slice3A_17, %slice3A_18, %slice3A_19, %slice3A_20, %slice3A_21, %slice3A_22, %slice3A_23, %slice3A_24, %slice3A_25, %slice3A_26 in 0 : vector<128x1xf32>, vector<128x1xf32>, vector<128x1xf32>, vector<128x1xf32>, vector<128x1xf32>, vector<128x1xf32>, vector<128x1xf32>, vector<128x1xf32>, vector<128x1xf32>, vector<128x1xf32>, vector<128x1xf32>, vector<128x1xf32>, vector<128x1xf32>, vector<128x1xf32>, vector<128x1xf32>, vector<128x1xf32> -> vector<2048x1xf32>
    %get3A_27 = arith.constant 0 : index
    %get3A_28 = arith.constant 0 : index
    %get3A_29 = vector.load %arg2[%get3A_27, %get3A_28] : memref<2048x128xf32, #tpu.memory_space<vmem>>, vector<2048x128xf32>
    %get3A_30 = arith.constant 0 : index
    %get3A_31 = arith.constant 0 : index
    %get3A_32 = vector.load %arg3[%get3A_30, %get3A_31] : memref<128x128xf32, #tpu.memory_space<vmem>>, vector<128x128xf32>
    %dot_general3A = arith.constant dense<0.000000e+00> : vector<2048x128xf32>
    %dot_general3A_33 = tpu.matmul %get3A_29, %get3A_32, %dot_general3A {dimension_numbers = #tpu.dot_dimension_numbers<[1], [0], [0], [1], [0, 0, 1, 1], [], []>, transpose_lhs_hint = false} : vector<2048x128xf32>, vector<128x128xf32>, vector<2048x128xf32> -> vector<2048x128xf32>
    %mul3A = vector.broadcast %concatenate3A : vector<2048x1xf32> to vector<2048x128xf32>
    %mul3A_34 = arith.mulf %dot_general3A_33, %mul3A : vector<2048x128xf32>
    %convert_element_type3A = arith.truncf %mul3A_34 : vector<2048x128xf32> to vector<2048x128xbf16>
    %slice3A_35 = vector.extract_strided_slice %convert_element_type3A {offsets = [0, 0], sizes = [2048, 64], strides = [1, 1]} : vector<2048x128xbf16> to vector<2048x64xbf16>
    %swap3A = arith.constant 0 : index
    %swap3A_36 = arith.constant 0 : index
    %swap3A_37 = arith.constant 0 : index
    %swap3A_38 = vector.load %arg4[%swap3A, %swap3A_36, %swap3A_37] : memref<2x2048x64xbf16, #tpu.memory_space<vmem>>, vector<1x2048x64xbf16>
    %swap3A_39 = vector.shape_cast %swap3A_38 : vector<1x2048x64xbf16> to vector<2048x64xbf16>
    %swap3A_40 = vector.shape_cast %slice3A_35 : vector<2048x64xbf16> to vector<1x2048x64xbf16>
    tpu.vector_store %arg4[%swap3A, %swap3A_36, %swap3A_37], %swap3A_40 {strides = array<i32>} : memref<2x2048x64xbf16, #tpu.memory_space<vmem>>, vector<1x2048x64xbf16>,
    %slice3A_41 = vector.extract_strided_slice %convert_element_type3A {offsets = [0, 64], sizes = [2048, 64], strides = [1, 1]} : vector<2048x128xbf16> to vector<2048x64xbf16>
    %swap3A_42 = arith.constant 1 : index
    %swap3A_43 = arith.constant 0 : index
    %swap3A_44 = arith.constant 0 : index
    %swap3A_45 = vector.load %arg4[%swap3A_42, %swap3A_43, %swap3A_44] : memref<2x2048x64xbf16, #tpu.memory_space<vmem>>, vector<1x2048x64xbf16>
    %swap3A_46 = vector.shape_cast %swap3A_45 : vector<1x2048x64xbf16> to vector<2048x64xbf16>
    %swap3A_47 = vector.shape_cast %slice3A_41 : vector<2048x64xbf16> to vector<1x2048x64xbf16>
    tpu.vector_store %arg4[%swap3A_42, %swap3A_43, %swap3A_44], %swap3A_47 {strides = array<i32>} : memref<2x2048x64xbf16, #tpu.memory_space<vmem>>, vector<1x2048x64xbf16>,
    return
  }
  func.func @transform_0(%arg0: i32) -> (i32, i32, i32) {
    %c0_i32 = arith.constant 0 : i32
    %c0_i32_0 = arith.constant 0 : i32
    %c0_i32_1 = arith.constant 0 : i32
    return %c0_i32, %arg0, %c0_i32_0 : i32, i32, i32
  }
  func.func @transform_1(%arg0: i32) -> (i32, i32) {
    %c0_i32 = arith.constant 0 : i32
    %c0_i32_0 = arith.constant 0 : i32
    return %arg0, %c0_i32 : i32, i32
  }
  func.func @transform_2(%arg0: i32) -> (i32, i32) {
    %c0_i32 = arith.constant 0 : i32
    %c0_i32_0 = arith.constant 0 : i32
    %c0_i32_1 = arith.constant 0 : i32
    return %c0_i32, %c0_i32_0 : i32, i32
  }
  func.func @transform_3(%arg0: i32) -> (i32, i32, i32) {
    %c0_i32 = arith.constant 0 : i32
    %c0_i32_0 = arith.constant 0 : i32
    %c0_i32_1 = arith.constant 0 : i32
    return %c0_i32, %arg0, %c0_i32_0 : i32, i32, i32
  }
}

module attributes {stable_mosaic.version = 14 : i64} {
  func.func @_ke_body(%arg0: i32, %arg1: memref<2x2048x64xbf16, #tpu.memory_space<vmem>>, %arg2: memref<2x16x128xf32, #tpu.memory_space<vmem>>, %arg3: memref<1x1x2048xi32, #tpu.memory_space<vmem>>, %arg4: memref<2x1x64xf32, #tpu.memory_space<vmem>>, %arg5: memref<2x64x8xf32, #tpu.memory_space<vmem>>, %arg6: memref<1x8xf32, #tpu.memory_space<vmem>>, %arg7: memref<64x8xf32, #tpu.memory_space<vmem>>, %arg8: memref<64x64xf32, #tpu.memory_space<vmem>>, %arg9: memref<64x64xf32, #tpu.memory_space<vmem>>, %arg10: memref<64x1xf32, #tpu.memory_space<vmem>>) attributes {dimension_semantics = [#tpu.dimension_semantics<arbitrary>], iteration_bounds = array<i64: 5>, scalar_prefetch = 0 : i64, scratch_operands = 3 : i64, tpu.core_type = #tpu.core_type<tc>, window_params = [{transform_indices = @transform_0, window_bounds = array<i64: 2, 2048, 64>}, {transform_indices = @transform_1, window_bounds = array<i64: 2, 16, 128>}, {transform_indices = @transform_2, window_bounds = array<i64: 1, 1, 2048>}, {pipeline_mode = #tpu.pipeline_mode<synchronous>, transform_indices = @transform_3, window_bounds = array<i64: 2, 1, 64>}, {pipeline_mode = #tpu.pipeline_mode<synchronous>, transform_indices = @transform_4, window_bounds = array<i64: 2, 64, 8>}, {pipeline_mode = #tpu.pipeline_mode<synchronous>, transform_indices = @transform_5, window_bounds = array<i64: 1, 8>}, {pipeline_mode = #tpu.pipeline_mode<synchronous>, transform_indices = @transform_6, window_bounds = array<i64: 64, 8>}]} {
    %eq3A = arith.constant 0 : i32
    %eq3A_0 = arith.cmpi eq, %arg0, %eq3A : i32
    %convert_element_type3A = arith.extui %eq3A_0 : i1 to i32
    %cond3A = arith.constant 0 : i32
    %cond3A_1 = arith.cmpi ne, %convert_element_type3A, %cond3A : i32
    scf.if %cond3A_1 {
      %broadcast_in_dim3A_103 = arith.constant 0.000000e+00 : f32
      %broadcast_in_dim3A_104 = vector.broadcast %broadcast_in_dim3A_103 : f32 to vector<64x64xf32>
      %swap3A_105 = arith.constant 0 : index
      %swap3A_106 = arith.constant 0 : index
      %swap3A_107 = vector.load %arg8[%swap3A_105, %swap3A_106] : memref<64x64xf32, #tpu.memory_space<vmem>>, vector<64x64xf32>
      tpu.vector_store %arg8[%swap3A_105, %swap3A_106], %broadcast_in_dim3A_104 {strides = array<i32>} : memref<64x64xf32, #tpu.memory_space<vmem>>, vector<64x64xf32>,
      %broadcast_in_dim3A_108 = arith.constant 0.000000e+00 : f32
      %broadcast_in_dim3A_109 = vector.broadcast %broadcast_in_dim3A_108 : f32 to vector<64x64xf32>
      %swap3A_110 = arith.constant 0 : index
      %swap3A_111 = arith.constant 0 : index
      %swap3A_112 = vector.load %arg9[%swap3A_110, %swap3A_111] : memref<64x64xf32, #tpu.memory_space<vmem>>, vector<64x64xf32>
      tpu.vector_store %arg9[%swap3A_110, %swap3A_111], %broadcast_in_dim3A_109 {strides = array<i32>} : memref<64x64xf32, #tpu.memory_space<vmem>>, vector<64x64xf32>,
      %broadcast_in_dim3A_113 = arith.constant 0.000000e+00 : f32
      %broadcast_in_dim3A_114 = vector.broadcast %broadcast_in_dim3A_113 : f32 to vector<64x1xf32>
      %swap3A_115 = arith.constant 0 : index
      %swap3A_116 = arith.constant 0 : index
      %swap3A_117 = vector.load %arg10[%swap3A_115, %swap3A_116] : memref<64x1xf32, #tpu.memory_space<vmem>>, vector<64x1xf32>
      tpu.vector_store %arg10[%swap3A_115, %swap3A_116], %broadcast_in_dim3A_114 {strides = array<i32>} : memref<64x1xf32, #tpu.memory_space<vmem>>, vector<64x1xf32>,
    } else {
    }
    %get3A = arith.constant 0 : index
    %get3A_2 = arith.constant 0 : index
    %get3A_3 = arith.constant 0 : index
    %get3A_4 = vector.load %arg2[%get3A, %get3A_2, %get3A_3] : memref<2x16x128xf32, #tpu.memory_space<vmem>>, vector<1x16x128xf32>
    %get3A_5 = vector.shape_cast %get3A_4 : vector<1x16x128xf32> to vector<16x128xf32>
    %get3A_6 = arith.constant 1 : index
    %get3A_7 = arith.constant 0 : index
    %get3A_8 = arith.constant 0 : index
    %get3A_9 = vector.load %arg2[%get3A_6, %get3A_7, %get3A_8] : memref<2x16x128xf32, #tpu.memory_space<vmem>>, vector<1x16x128xf32>
    %get3A_10 = vector.shape_cast %get3A_9 : vector<1x16x128xf32> to vector<16x128xf32>
    %add3A = arith.addf %get3A_5, %get3A_10 : vector<16x128xf32>
    %add3A_11 = arith.constant 1.000000e+00 : f32
    %add3A_12 = vector.broadcast %add3A_11 : f32 to vector<16x128xf32>
    %add3A_13 = arith.addf %add3A, %add3A_12 : vector<16x128xf32>
    %rsqrt3A = math.rsqrt %add3A_13 : vector<16x128xf32>
    %transpose3A = tpu.transpose %rsqrt3A, [1, 0] : vector<16x128xf32> -> vector<128x16xf32>
    %slice3A = vector.extract_strided_slice %transpose3A {offsets = [0, 0], sizes = [128, 1], strides = [1, 1]} : vector<128x16xf32> to vector<128x1xf32>
    %slice3A_14 = vector.extract_strided_slice %transpose3A {offsets = [0, 1], sizes = [128, 1], strides = [1, 1]} : vector<128x16xf32> to vector<128x1xf32>
    %slice3A_15 = vector.extract_strided_slice %transpose3A {offsets = [0, 2], sizes = [128, 1], strides = [1, 1]} : vector<128x16xf32> to vector<128x1xf32>
    %slice3A_16 = vector.extract_strided_slice %transpose3A {offsets = [0, 3], sizes = [128, 1], strides = [1, 1]} : vector<128x16xf32> to vector<128x1xf32>
    %slice3A_17 = vector.extract_strided_slice %transpose3A {offsets = [0, 4], sizes = [128, 1], strides = [1, 1]} : vector<128x16xf32> to vector<128x1xf32>
    %slice3A_18 = vector.extract_strided_slice %transpose3A {offsets = [0, 5], sizes = [128, 1], strides = [1, 1]} : vector<128x16xf32> to vector<128x1xf32>
    %slice3A_19 = vector.extract_strided_slice %transpose3A {offsets = [0, 6], sizes = [128, 1], strides = [1, 1]} : vector<128x16xf32> to vector<128x1xf32>
    %slice3A_20 = vector.extract_strided_slice %transpose3A {offsets = [0, 7], sizes = [128, 1], strides = [1, 1]} : vector<128x16xf32> to vector<128x1xf32>
    %slice3A_21 = vector.extract_strided_slice %transpose3A {offsets = [0, 8], sizes = [128, 1], strides = [1, 1]} : vector<128x16xf32> to vector<128x1xf32>
    %slice3A_22 = vector.extract_strided_slice %transpose3A {offsets = [0, 9], sizes = [128, 1], strides = [1, 1]} : vector<128x16xf32> to vector<128x1xf32>
    %slice3A_23 = vector.extract_strided_slice %transpose3A {offsets = [0, 10], sizes = [128, 1], strides = [1, 1]} : vector<128x16xf32> to vector<128x1xf32>
    %slice3A_24 = vector.extract_strided_slice %transpose3A {offsets = [0, 11], sizes = [128, 1], strides = [1, 1]} : vector<128x16xf32> to vector<128x1xf32>
    %slice3A_25 = vector.extract_strided_slice %transpose3A {offsets = [0, 12], sizes = [128, 1], strides = [1, 1]} : vector<128x16xf32> to vector<128x1xf32>
    %slice3A_26 = vector.extract_strided_slice %transpose3A {offsets = [0, 13], sizes = [128, 1], strides = [1, 1]} : vector<128x16xf32> to vector<128x1xf32>
    %slice3A_27 = vector.extract_strided_slice %transpose3A {offsets = [0, 14], sizes = [128, 1], strides = [1, 1]} : vector<128x16xf32> to vector<128x1xf32>
    %slice3A_28 = vector.extract_strided_slice %transpose3A {offsets = [0, 15], sizes = [128, 1], strides = [1, 1]} : vector<128x16xf32> to vector<128x1xf32>
    %concatenate3A = tpu.concatenate %slice3A, %slice3A_14, %slice3A_15, %slice3A_16, %slice3A_17, %slice3A_18, %slice3A_19, %slice3A_20, %slice3A_21, %slice3A_22, %slice3A_23, %slice3A_24, %slice3A_25, %slice3A_26, %slice3A_27, %slice3A_28 in 0 : vector<128x1xf32>, vector<128x1xf32>, vector<128x1xf32>, vector<128x1xf32>, vector<128x1xf32>, vector<128x1xf32>, vector<128x1xf32>, vector<128x1xf32>, vector<128x1xf32>, vector<128x1xf32>, vector<128x1xf32>, vector<128x1xf32>, vector<128x1xf32>, vector<128x1xf32>, vector<128x1xf32>, vector<128x1xf32> -> vector<2048x1xf32>
    %get3A_29 = arith.constant 0 : index
    %get3A_30 = arith.constant 0 : index
    %get3A_31 = arith.constant 0 : index
    %get3A_32 = vector.load %arg1[%get3A_29, %get3A_30, %get3A_31] : memref<2x2048x64xbf16, #tpu.memory_space<vmem>>, vector<1x2048x64xbf16>
    %get3A_33 = vector.shape_cast %get3A_32 : vector<1x2048x64xbf16> to vector<2048x64xbf16>
    %convert_element_type3A_34 = arith.extf %get3A_33 : vector<2048x64xbf16> to vector<2048x64xf32>
    %mul3A = vector.broadcast %concatenate3A : vector<2048x1xf32> to vector<2048x64xf32>
    %mul3A_35 = arith.mulf %convert_element_type3A_34, %mul3A : vector<2048x64xf32>
    %get3A_36 = arith.constant 0 : index
    %get3A_37 = arith.constant 0 : index
    %get3A_38 = arith.constant 0 : index
    %get3A_39 = vector.load %arg4[%get3A_36, %get3A_37, %get3A_38] : memref<2x1x64xf32, #tpu.memory_space<vmem>>, vector<1x1x64xf32>
    %get3A_40 = vector.shape_cast %get3A_39 : vector<1x1x64xf32> to vector<1x64xf32>
    %add3A_41 = vector.broadcast %get3A_40 : vector<1x64xf32> to vector<2048x64xf32>
    %add3A_42 = arith.addf %mul3A_35, %add3A_41 : vector<2048x64xf32>
    %max3A = arith.constant 0.000000e+00 : f32
    %max3A_43 = vector.broadcast %max3A : f32 to vector<2048x64xf32>
    %max3A_44 = arith.maximumf %add3A_42, %max3A_43 : vector<2048x64xf32>
    %get3A_45 = arith.constant 1 : index
    %get3A_46 = arith.constant 0 : index
    %get3A_47 = arith.constant 0 : index
    %get3A_48 = vector.load %arg1[%get3A_45, %get3A_46, %get3A_47] : memref<2x2048x64xbf16, #tpu.memory_space<vmem>>, vector<1x2048x64xbf16>
    %get3A_49 = vector.shape_cast %get3A_48 : vector<1x2048x64xbf16> to vector<2048x64xbf16>
    %convert_element_type3A_50 = arith.extf %get3A_49 : vector<2048x64xbf16> to vector<2048x64xf32>
    %mul3A_51 = vector.broadcast %concatenate3A : vector<2048x1xf32> to vector<2048x64xf32>
    %mul3A_52 = arith.mulf %convert_element_type3A_50, %mul3A_51 : vector<2048x64xf32>
    %get3A_53 = arith.constant 1 : index
    %get3A_54 = arith.constant 0 : index
    %get3A_55 = arith.constant 0 : index
    %get3A_56 = vector.load %arg4[%get3A_53, %get3A_54, %get3A_55] : memref<2x1x64xf32, #tpu.memory_space<vmem>>, vector<1x1x64xf32>
    %get3A_57 = vector.shape_cast %get3A_56 : vector<1x1x64xf32> to vector<1x64xf32>
    %add3A_58 = vector.broadcast %get3A_57 : vector<1x64xf32> to vector<2048x64xf32>
    %add3A_59 = arith.addf %mul3A_52, %add3A_58 : vector<2048x64xf32>
    %max3A_60 = arith.constant 0.000000e+00 : f32
    %max3A_61 = vector.broadcast %max3A_60 : f32 to vector<2048x64xf32>
    %max3A_62 = arith.maximumf %add3A_59, %max3A_61 : vector<2048x64xf32>
    %iota3A = tpu.iota {dimensions = array<i32: 0>} : vector<64x2048xi32>
    %get3A_63 = arith.constant 0 : index
    %get3A_64 = arith.constant 0 : index
    %get3A_65 = arith.constant 0 : index
    %get3A_66 = vector.load %arg3[%get3A_63, %get3A_64, %get3A_65] : memref<1x1x2048xi32, #tpu.memory_space<vmem>>, vector<1x1x2048xi32>
    %get3A_67 = vector.shape_cast %get3A_66 : vector<1x1x2048xi32> to vector<1x2048xi32>
    %eq3A_68 = vector.broadcast %get3A_67 : vector<1x2048xi32> to vector<64x2048xi32>
    %eq3A_69 = arith.cmpi eq, %iota3A, %eq3A_68 : vector<64x2048xi32>
    %convert_element_type3A_70 = arith.extui %eq3A_69 : vector<64x2048xi1> to vector<64x2048xi32>
    %convert_element_type3A_71 = arith.sitofp %convert_element_type3A_70 : vector<64x2048xi32> to vector<64x2048xf32>
    %get3A_72 = arith.constant 0 : index
    %get3A_73 = arith.constant 0 : index
    %get3A_74 = vector.load %arg8[%get3A_72, %get3A_73] : memref<64x64xf32, #tpu.memory_space<vmem>>, vector<64x64xf32>
    %dot_general3A = arith.constant dense<0.000000e+00> : vector<64x64xf32>
    %dot_general3A_75 = tpu.matmul %convert_element_type3A_71, %max3A_44, %dot_general3A {dimension_numbers = #tpu.dot_dimension_numbers<[1], [0], [0], [1], [0, 0, 1, 1], [], []>, transpose_lhs_hint = false} : vector<64x2048xf32>, vector<2048x64xf32>, vector<64x64xf32> -> vector<64x64xf32>
    %add3A_76 = arith.addf %get3A_74, %dot_general3A_75 : vector<64x64xf32>
    %swap3A = arith.constant 0 : index
    %swap3A_77 = arith.constant 0 : index
    %swap3A_78 = vector.load %arg8[%swap3A, %swap3A_77] : memref<64x64xf32, #tpu.memory_space<vmem>>, vector<64x64xf32>
    tpu.vector_store %arg8[%swap3A, %swap3A_77], %add3A_76 {strides = array<i32>} : memref<64x64xf32, #tpu.memory_space<vmem>>, vector<64x64xf32>,
    %get3A_79 = arith.constant 0 : index
    %get3A_80 = arith.constant 0 : index
    %get3A_81 = vector.load %arg9[%get3A_79, %get3A_80] : memref<64x64xf32, #tpu.memory_space<vmem>>, vector<64x64xf32>
    %dot_general3A_82 = arith.constant dense<0.000000e+00> : vector<64x64xf32>
    %dot_general3A_83 = tpu.matmul %convert_element_type3A_71, %max3A_62, %dot_general3A_82 {dimension_numbers = #tpu.dot_dimension_numbers<[1], [0], [0], [1], [0, 0, 1, 1], [], []>, transpose_lhs_hint = false} : vector<64x2048xf32>, vector<2048x64xf32>, vector<64x64xf32> -> vector<64x64xf32>
    %add3A_84 = arith.addf %get3A_81, %dot_general3A_83 : vector<64x64xf32>
    %swap3A_85 = arith.constant 0 : index
    %swap3A_86 = arith.constant 0 : index
    %swap3A_87 = vector.load %arg9[%swap3A_85, %swap3A_86] : memref<64x64xf32, #tpu.memory_space<vmem>>, vector<64x64xf32>
    tpu.vector_store %arg9[%swap3A_85, %swap3A_86], %add3A_84 {strides = array<i32>} : memref<64x64xf32, #tpu.memory_space<vmem>>, vector<64x64xf32>,
    %get3A_88 = arith.constant 0 : index
    %get3A_89 = arith.constant 0 : index
    %get3A_90 = vector.load %arg10[%get3A_88, %get3A_89] : memref<64x1xf32, #tpu.memory_space<vmem>>, vector<64x1xf32>
    %broadcast_in_dim3A = arith.constant 1.000000e+00 : f32
    %broadcast_in_dim3A_91 = vector.broadcast %broadcast_in_dim3A : f32 to vector<2048x1xf32>
    %dot_general3A_92 = arith.constant dense<0.000000e+00> : vector<64x1xf32>
    %dot_general3A_93 = tpu.matmul %convert_element_type3A_71, %broadcast_in_dim3A_91, %dot_general3A_92 {dimension_numbers = #tpu.dot_dimension_numbers<[1], [0], [0], [1], [0, 0, 1, 1], [], []>, transpose_lhs_hint = false} : vector<64x2048xf32>, vector<2048x1xf32>, vector<64x1xf32> -> vector<64x1xf32>
    %add3A_94 = arith.addf %get3A_90, %dot_general3A_93 : vector<64x1xf32>
    %swap3A_95 = arith.constant 0 : index
    %swap3A_96 = arith.constant 0 : index
    %swap3A_97 = vector.load %arg10[%swap3A_95, %swap3A_96] : memref<64x1xf32, #tpu.memory_space<vmem>>, vector<64x1xf32>
    tpu.vector_store %arg10[%swap3A_95, %swap3A_96], %add3A_94 {strides = array<i32>} : memref<64x1xf32, #tpu.memory_space<vmem>>, vector<64x1xf32>,
    %eq3A_98 = arith.constant 4 : i32
    %eq3A_99 = arith.cmpi eq, %arg0, %eq3A_98 : i32
    %convert_element_type3A_100 = arith.extui %eq3A_99 : i1 to i32
    %cond3A_101 = arith.constant 0 : i32
    %cond3A_102 = arith.cmpi ne, %convert_element_type3A_100, %cond3A_101 : i32
    scf.if %cond3A_102 {
      %get3A_103 = arith.constant 0 : index
      %get3A_104 = arith.constant 0 : index
      %get3A_105 = vector.load %arg10[%get3A_103, %get3A_104] : memref<64x1xf32, #tpu.memory_space<vmem>>, vector<64x1xf32>
      %max3A_106 = arith.constant 1.000000e+00 : f32
      %max3A_107 = vector.broadcast %max3A_106 : f32 to vector<64x1xf32>
      %max3A_108 = arith.maximumf %get3A_105, %max3A_107 : vector<64x1xf32>
      %div3A = arith.constant 1.000000e+00 : f32
      %div3A_109 = vector.broadcast %div3A : f32 to vector<64x1xf32>
      %div3A_110 = arith.divf %div3A_109, %max3A_108 : vector<64x1xf32>
      %get3A_111 = arith.constant 0 : index
      %get3A_112 = arith.constant 0 : index
      %get3A_113 = vector.load %arg8[%get3A_111, %get3A_112] : memref<64x64xf32, #tpu.memory_space<vmem>>, vector<64x64xf32>
      %mul3A_114 = vector.broadcast %div3A_110 : vector<64x1xf32> to vector<64x64xf32>
      %mul3A_115 = arith.mulf %get3A_113, %mul3A_114 : vector<64x64xf32>
      %get3A_116 = arith.constant 0 : index
      %get3A_117 = arith.constant 0 : index
      %get3A_118 = arith.constant 0 : index
      %get3A_119 = vector.load %arg5[%get3A_116, %get3A_117, %get3A_118] : memref<2x64x8xf32, #tpu.memory_space<vmem>>, vector<1x64x8xf32>
      %get3A_120 = vector.shape_cast %get3A_119 : vector<1x64x8xf32> to vector<64x8xf32>
      %dot_general3A_121 = arith.constant dense<0.000000e+00> : vector<64x8xf32>
      %dot_general3A_122 = tpu.matmul %mul3A_115, %get3A_120, %dot_general3A_121 {dimension_numbers = #tpu.dot_dimension_numbers<[1], [0], [0], [1], [0, 0, 1, 1], [], []>, transpose_lhs_hint = false} : vector<64x64xf32>, vector<64x8xf32>, vector<64x8xf32> -> vector<64x8xf32>
      %get3A_123 = arith.constant 0 : index
      %get3A_124 = arith.constant 0 : index
      %get3A_125 = vector.load %arg9[%get3A_123, %get3A_124] : memref<64x64xf32, #tpu.memory_space<vmem>>, vector<64x64xf32>
      %mul3A_126 = vector.broadcast %div3A_110 : vector<64x1xf32> to vector<64x64xf32>
      %mul3A_127 = arith.mulf %get3A_125, %mul3A_126 : vector<64x64xf32>
      %get3A_128 = arith.constant 1 : index
      %get3A_129 = arith.constant 0 : index
      %get3A_130 = arith.constant 0 : index
      %get3A_131 = vector.load %arg5[%get3A_128, %get3A_129, %get3A_130] : memref<2x64x8xf32, #tpu.memory_space<vmem>>, vector<1x64x8xf32>
      %get3A_132 = vector.shape_cast %get3A_131 : vector<1x64x8xf32> to vector<64x8xf32>
      %dot_general3A_133 = arith.constant dense<0.000000e+00> : vector<64x8xf32>
      %dot_general3A_134 = tpu.matmul %mul3A_127, %get3A_132, %dot_general3A_133 {dimension_numbers = #tpu.dot_dimension_numbers<[1], [0], [0], [1], [0, 0, 1, 1], [], []>, transpose_lhs_hint = false} : vector<64x64xf32>, vector<64x8xf32>, vector<64x8xf32> -> vector<64x8xf32>
      %add3A_135 = arith.addf %dot_general3A_122, %dot_general3A_134 : vector<64x8xf32>
      %get3A_136 = arith.constant 0 : index
      %get3A_137 = arith.constant 0 : index
      %get3A_138 = vector.load %arg6[%get3A_136, %get3A_137] : memref<1x8xf32, #tpu.memory_space<vmem>>, vector<1x8xf32>
      %add3A_139 = vector.broadcast %get3A_138 : vector<1x8xf32> to vector<64x8xf32>
      %add3A_140 = arith.addf %add3A_135, %add3A_139 : vector<64x8xf32>
      %swap3A_141 = arith.constant 0 : index
      %swap3A_142 = arith.constant 0 : index
      %swap3A_143 = vector.load %arg7[%swap3A_141, %swap3A_142] : memref<64x8xf32, #tpu.memory_space<vmem>>, vector<64x8xf32>
      tpu.vector_store %arg7[%swap3A_141, %swap3A_142], %add3A_140 {strides = array<i32>} : memref<64x8xf32, #tpu.memory_space<vmem>>, vector<64x8xf32>,
    } else {
    }
    return
  }
  func.func @transform_0(%arg0: i32) -> (i32, i32, i32) {
    %c0_i32 = arith.constant 0 : i32
    %c0_i32_0 = arith.constant 0 : i32
    %c0_i32_1 = arith.constant 0 : i32
    return %c0_i32, %arg0, %c0_i32_0 : i32, i32, i32
  }
  func.func @transform_1(%arg0: i32) -> (i32, i32, i32) {
    %c0_i32 = arith.constant 0 : i32
    %c0_i32_0 = arith.constant 0 : i32
    %c0_i32_1 = arith.constant 0 : i32
    return %c0_i32, %arg0, %c0_i32_0 : i32, i32, i32
  }
  func.func @transform_2(%arg0: i32) -> (i32, i32, i32) {
    %c0_i32 = arith.constant 0 : i32
    %c0_i32_0 = arith.constant 0 : i32
    %c0_i32_1 = arith.constant 0 : i32
    return %arg0, %c0_i32, %c0_i32_0 : i32, i32, i32
  }
  func.func @transform_3(%arg0: i32) -> (i32, i32, i32) {
    %c0_i32 = arith.constant 0 : i32
    %c0_i32_0 = arith.constant 0 : i32
    %c0_i32_1 = arith.constant 0 : i32
    %c0_i32_2 = arith.constant 0 : i32
    return %c0_i32, %c0_i32_0, %c0_i32_1 : i32, i32, i32
  }
  func.func @transform_4(%arg0: i32) -> (i32, i32, i32) {
    %c0_i32 = arith.constant 0 : i32
    %c0_i32_0 = arith.constant 0 : i32
    %c0_i32_1 = arith.constant 0 : i32
    %c0_i32_2 = arith.constant 0 : i32
    return %c0_i32, %c0_i32_0, %c0_i32_1 : i32, i32, i32
  }
  func.func @transform_5(%arg0: i32) -> (i32, i32) {
    %c0_i32 = arith.constant 0 : i32
    %c0_i32_0 = arith.constant 0 : i32
    %c0_i32_1 = arith.constant 0 : i32
    return %c0_i32, %c0_i32_0 : i32, i32
  }
  func.func @transform_6(%arg0: i32) -> (i32, i32) {
    %c0_i32 = arith.constant 0 : i32
    %c0_i32_0 = arith.constant 0 : i32
    %c0_i32_1 = arith.constant 0 : i32
    return %c0_i32, %c0_i32_0 : i32, i32
  }
}

</mosaic_0001>

<sc_bundles>
// kernel: kernel.6.cloned.1.call-start
scs
__scs_entry_jumppad:
0x0: {  	(pc) =	sbr.rel $0x88, $3  }
0x1: {  	(tag) =	ssettag $0x0;
	lr =	simm.s32 $0x1  }
0x2: {  	[smem:$0x3F9A] =	sst lr;
	_ =	strace $0xD0000000  }
0x3: {  	_ = 	snop  }
0x4: {  	_ = 	snop  }
0x5: {  	_ = 	snop  }
0x6: {  	_ = 	snop  }
0x7: {  	_ = 	snop  }
__scs_overlays_trampoline_lowered:
0x8: {  	[smem:$0x3FA9] =	sst s0  }
0x9: {  	[smem:$0x3FAA] =	sst s1  }
0xa: {  	[smem:$0x3FAB] =	sst s2  }
0xb: {  	[smem:$0x3FAC] =	sst s3  }
0xc: {  	[smem:$0x3FAD] =	sst s4  }
0xd: {  	[smem:$0x3FAE] =	sst s5  }
0xe: {  	[smem:$0x3FAF] =	sst s6  }
0xf: {  	[smem:$0x3FB0] =	sst s7  }
0x10: {  	[smem:$0x3FB1] =	sst s8  }
0x11: {  	[smem:$0x3FB2] =	sst s9;
	s0 =	simm.s32 @!p0 $0x0  }
0x12: {  	s1 =	sld [smem:$0x3F98];
	s0 =	simm.s32 @p0 $0x1  }
0x13: {  	[smem:$0x3FB3] =	sst s0;
	s0 =	simm.s32 @!p1 $0x0  }
0x14: {  	s2 =	sld [smem:$0x3F97];
	s0 =	simm.s32 @p1 $0x1  }
0x15: {  	[smem:$0x3FB4] =	sst s0;
	s0 =	simm.s32 @!p2 $0x0  }
0x16: {  	s3 =	sld [smem:$0x3FDB];
	s0 =	simm.s32 @p2 $0x1  }
0x17: {  	s4 =	simm.s32 $0x1BF5;
	[smem:$0x3FB6] =	sst s0  }
0x18: {  	s0 =	sld [smem:$0x3F99];
	_ =	swait.ge [sflag:s4], $0x0  }
0x19: {  	s7 =	sld [smem:$0x3F9A]  }
0x1a: {  	s8 =	sadd.s32 $0xFFFFE003, lr  }
0x1b: {  	s9 =	sadd.s32 $0xFFFFFEF7, lr;
	s5 =	simm.s32 $0xFFFFFFFF;
	p2 =	slt.u32 s8, $0xFFFFF086  }
0x1c: {  	p1 =	slt.u32 s9, $0xF7A;
	s5 =	simm.s32 @!p2 $0x0  }
0x1d: {  	s5 =	simm.s32 @p1 $0x1;
	p0 =	seq.s32 s7, s2  }
0x1e: {  	s7 =	smul.u32 @!p0 $0xF7A, s2;
	p2 =	seq.s32 @!p0 s5, $0x0  }
0x1f: {  	s9 =	smul.u32 $0xF7A, s1;
	s8 =	simm.s32 @!p0 $0x1BF5;
	p2 =	por !p2, p0  }
0x20: {  	[sflag:s8] =	ssyncset.s32 @!p0 $0xFFFFF086;
	s6 =	sadd.s32 @!p0 s3, s7;
	s7 =	simm.s32 @!p0 $0x108  }
0x21: {  	s3 =	sadd.s32 s3, s9;
	s6 =	sadd.s32 @!p0 $0x88, s6;
	s7 =	simm.s32 @p2 $0x1082  }
0x22: {  	[simem:s7], [sflag:s8] =	dma.local @!p0 [hbm:s6], $0xF7A  }
0x23: {  	s9 =	sor.u32 $0xD0000000, s2;
	s6 =	simm.s32 $0x108;
	_ =	swait.ge @!p0 [sflag:s8], $0x0  }
0x24: {  	s3 =	sadd.s32 $0x88, s3;
	s6 =	simm.s32 @!p1 $0x1082;
	[sflag:s4] =	ssyncset.s32 $0xFFFFF086  }
0x25: {  	[simem:s6], [sflag:s4] =	dma.local [hbm:s3], $0xF7A  }
0x26: {  	[smem:$0x3F9A] =	sst s1;
	(tag) =	ssettag s2;
	_ =	strace s9  }
0x27: {  	s1 =	sld [smem:$0x3FAA]  }
0x28: {  	s2 =	sld [smem:$0x3FAB]  }
0x29: {  	s4 =	sld [smem:$0x3FAD]  }
0x2a: {  	p0 =	seq.s32 s5, $0x0;
	s5 =	sld [smem:$0x3FAE]  }
0x2b: {  	s6 =	sld [smem:$0x3FAF]  }
0x2c: {  	s7 =	sld [smem:$0x3FB0]  }
0x2d: {  	s3 =	simm.s32 $0x108;
	s8 =	sld [smem:$0x3FB1]  }
0x2e: {  	s3 =	simm.s32 @!p0 $0x1082;
	s9 =	sld [smem:$0x3FB2]  }
0x2f: {  	lr =	sadd.s32 s0, s3;
	s0 =	sld [smem:$0x3FA9]  }
0x30: {  	s3 =	sld [smem:$0x3FAC]  }
0x31: {  	[smem:$0x3FB5] =	sst s10  }
0x32: {  	s10 =	sld [smem:$0x3FB3];
	_ =	sdelay $0x3  }
0x33: {  	p0 =	seq.s32 s10, $0x1;
	s10 =	sld [smem:$0x3FB5];
	_ =	sdelay $0x3  }
0x34: {  	[smem:$0x3FB5] =	sst s10  }
0x35: {  	s10 =	sld [smem:$0x3FB4];
	_ =	sdelay $0x3  }
0x36: {  	p1 =	seq.s32 s10, $0x1;
	s10 =	sld [smem:$0x3FB5];
	_ =	sdelay $0x3  }
0x37: {  	[smem:$0x3FB5] =	sst s10  }
0x38: {  	s10 =	sld [smem:$0x3FB6]  }
0x39: {  	_ = 	snop;
	(pc) =	sbr.ind lr, $3  }
0x3a: {  	_ = 	snop  }
0x3b: {  	_ = 	snop  }
0x3c: {  	p2 =	seq.s32 s10, $0x1;
	s10 =	sld [smem:$0x3FB5]  }
0x3d: {  	_ =	shalt  }
0x3e: {  	_ =	shalt  }
0x3f: {  	_ =	shalt  }
0x40: {  	_ =	shalt  }
0x41: {  	_ =	shalt  }
0x42: {  	_ =	shalt  }
0x43: {  	_ =	shalt  }
0x44: {  	_ =	shalt  }
0x45: {  	_ =	shalt  }
0x46: {  	_ =	shalt  }
0x47: {  	_ =	shalt  }
0x48: {  	_ =	shalt  }
0x49: {  	_ =	shalt  }
0x4a: {  	_ =	shalt  }
0x4b: {  	_ =	shalt  }
0x4c: {  	_ =	shalt  }
0x4d: {  	_ =	shalt  }
0x4e: {  	_ =	shalt  }
0x4f: {  	_ =	shalt  }
0x50: {  	_ =	shalt  }
0x51: {  	_ =	shalt  }
0x52: {  	_ =	shalt  }
0x53: {  	_ =	shalt  }
0x54: {  	_ =	shalt  }
0x55: {  	_ =	shalt  }
0x56: {  	_ =	shalt  }
0x57: {  	_ =	shalt  }
0x58: {  	_ =	shalt  }
0x59: {  	_ =	shalt  }
0x5a: {  	_ =	shalt  }
0x5b: {  	_ =	shalt  }
0x5c: {  	_ =	shalt  }
0x5d: {  	_ =	shalt  }
0x5e: {  	_ =	shalt  }
0x5f: {  	_ =	shalt  }
0x60: {  	_ =	shalt  }
0x61: {  	_ =	shalt  }
0x62: {  	_ =	shalt  }
0x63: {  	_ =	shalt  }
0x64: {  	_ =	shalt  }
0x65: {  	_ =	shalt  }
0x66: {  	_ =	shalt  }
0x67: {  	_ =	shalt  }
0x68: {  	_ =	shalt  }
0x69: {  	_ =	shalt  }
0x6a: {  	_ =	shalt  }
0x6b: {  	_ =	shalt  }
0x6c: {  	_ =	shalt  }
0x6d: {  	_ =	shalt  }
0x6e: {  	_ =	shalt  }
0x6f: {  	_ =	shalt  }
0x70: {  	_ =	shalt  }
0x71: {  	_ =	shalt  }
0x72: {  	_ =	shalt  }
0x73: {  	_ =	shalt  }
0x74: {  	_ =	shalt  }
0x75: {  	_ =	shalt  }
0x76: {  	_ =	shalt  }
0x77: {  	_ =	shalt  }
0x78: {  	_ =	shalt  }
0x79: {  	_ =	shalt  }
0x7a: {  	_ =	shalt  }
0x7b: {  	_ =	shalt  }
0x7c: {  	_ =	shalt  }
0x7d: {  	_ =	shalt  }
0x7e: {  	_ =	shalt  }
0x7f: {  	_ =	shalt  }
0x80: {  	_ =	shalt  }
0x81: {  	_ =	shalt  }
0x82: {  	_ =	shalt  }
0x83: {  	_ =	shalt  }
0x84: {  	_ =	shalt  }
0x85: {  	_ =	shalt  }
0x86: {  	_ =	shalt  }
0x87: {  	_ =	shalt  }
.Lfunc_end0:
.L_simem_size_0:
called_computation_lowered:
.L_overlay_start_0:
0x88: {  	s2 =	sld [smem:$0x3FD9]  }
0x89: {  	s3 =	sld [smem:$0x3FFE];
	_ =	sdelay $0x1  }
0x8a: {  	s1 =	srdreg.scid  }
0x8b: {  	s0 =	sand.u32 $0x1, s1  }
0x8c: {  	s16 =	sshll.u32 s0, $0xA;
	s2 =	sadd.s32 s3, s2  }
0x8d: {  	s2 =	sadd.s32 s2, s16  }
0x8e: {  	[smem:$0x3FC1] =	sst s2  }
0x8f: {  	_ = 	snop  }
0x90: {  	(tm) =	ssettm $0x1  }
0x91: {  	s17 =	sld [smem:$0x3FFB];
	_ =	sdelay $0x3  }
0x92: {  	_ =	strace s17  }
0x93: {  	s2 =	sld [smem:$0x3FFC];
	_ =	sdelay $0x3  }
0x94: {  	_ =	strace s2  }
0x95: {  	s2 =	sld [smem:$0x3FFD];
	_ =	sdelay $0x3  }
0x96: {  	_ =	strace s2  }
0x97: {  	_ =	strace $0x8FFFFFFF  }
0x98: {  	s18 =	sld [smem:$0x3FDB];
	_ =	sdelay $0x1  }
0x99: {  	s19 =	simm.s32 $_scs_section_size  }
0x9a: {  	s4 =	simm.s32 $_size__tile_overlayer_lowered;
	s5 =	simm.s32 $_tile_overlayer_lowered  }
0x9b: {  	s22 =	simm.s32 $0x1BFF;
	s21 =	sshll.u32 s5, $0x1;
	s2 =	sadd.s32 s19, s18  }
0x9c: {  	s6 =	simm.s32 $0x0;
	s20 =	sshll.u32 s4, $0x1;
	s4 =	sadd.s32 s21, s2  }
0x9d: {  	[timem:s6], [sflag:s22] =	dma.local [hbm:s4], s20  }
0x9e: {  	_ =	swait.ge [sflag:s22], s20  }
0x9f: {  	s3 =	ssub.s32 $0x0, s20;
	[sflag:s22] =	ssyncset.done $0x0  }
0xa0: {  	[sflag:s22] =	ssyncadd.s32 s3;
	_ =	sdelay $0x1  }
0xa1: {  	s23 =	simm.s32 $0x1B8B  }
0xa2: {  	_ =	swait.ge [sflag:s23], $0x1  }
0xa3: {  	[sflag:s23] =	ssyncset.done $0x0  }
0xa4: {  	s25 =	simm.s32 $0x1B8E;
	s24 =	sld [smem:$0x3FFE];
	[sflag:s23] =	ssyncadd.s32 $0xFFFFFFFF  }
0xa5: {  	s26 =	simm.s32 $execute0_lowered;
	[smem:$0x3FD2] =	sst s25  }
0xa6: {  	s4 =	sshll.u32 s26, $0x1;
	_ =	strace $0x80000046;
	[dreg:$0x1] =	wrdreg $0xFFFFFFFF  }
0xa7: {  	s28 =	simm.s32 $_size_execute0_lowered;
	s2 =	sadd.s32 s2, s4;
	[dreg:$0x0] =	wrdreg $0x0  }
0xa8: {  	s4 =	sshll.u32 s28, $0x1;
	[dreg:$0x2] =	wrdreg s2  }
0xa9: {  	[dreg:$0x3] =	wrdreg s4  }
0xaa: {  	[dreg:$0x4] =	wrdreg $0xC0  }
0xab: {  	_ =	task [dreg:s6], $0x5FFFF  }
0xac: {  	[dreg:$0x1] =	wrdreg $0xFFFFFFFF  }
0xad: {  	[dreg:$0x0] =	wrdreg $0x60  }
0xae: {  	[dreg:$0x2] =	wrdreg s24  }
0xaf: {  	[dreg:$0x3] =	wrdreg $0x2B000  }
0xb0: {  	[dreg:$0x4] =	wrdreg $0x9  }
0xb1: {  	_ =	task.clear_ibuf [dreg:s6], $0x5FFFF;
	_ =	strace $0x90000046  }
0xb2: {  	s29 =	simm.s32 $0x9;
	_ =	strace $0x80000048  }
0xb3: {  	_ =	swait.ge [sflag:s29], $0x1  }
0xb4: {  	[sflag:s29] =	ssyncadd.s32 $0xFFFFFFFF  }
0xb5: {  	_ =	strace $0x90000048  }
0xb6: {  	_ =	sfence  }
0xb7: {  	s30 =	sld [smem:$0x0];
	_ =	sdelay $0x2  }
0xb8: {  	s31 =	sshll.u32 s1, $0xD;
	s1 =	sshrl.u32 s1, $0x2  }
0xb9: {  	s3 =	sand.u32 $0x4000, s31;
	s1 =	sadd.s32 s1, s30  }
0xba: {  	s0 =	sor.u32 s3, s0;
	s1 =	sshll.u32 s1, $0x11  }
0xbb: {  	s0 =	sor.u32 s1, s0  }
0xbc: {  	s0 =	sadd.s32 $0x8F2B, s0  }
0xbd: {  	[sflag:s0] =	ssyncadd.remote.s32 $0x1  }
0xbe: {  	_ =	sfence.sel $0xFFFF  }
0xbf: {  	[dreg:$0x0] =	wrdreg $0xFFFFFFFF;
	(pc) =	sbr.abs _section_cstart, $3  }
0xc0: {  	[dreg:$0x1] =	wrdreg $0xFFFFFFFF  }
0xc1: {  	_ =	task.clear_ibuf [dreg:s6], $0x2FFFF;
	_ =	strace $0x9FFFFFFF  }
0xc2: {  	(tm) =	ssettm $0x7FFFFFFF  }
0xc3: {  	_ =	shalt  }
tec
execute0_lowered:
.L_overlay_start_1:
0x0: {  	(tag) =	ssettag $0x1  }
0x1: {  	s4 =	rddreg [dreg:$0x0]  }
0x2: {  	s2 =	rddreg [dreg:$0x1]  }
0x3: {  	s0 =	rddreg [dreg:$0x2];
	s3 =	srdreg.scid  }
0x4: {  	s1 =	stileid.u32;
	s10 =	simm.s32 $0x80;
	s11 =	simm.s32 $0x2800  }
0x5: {  	s12 =	simm.s32 $0x1;
	s15 =	simm.s32 $0x0;
	s5 =	sand.u32 $0x1, s3  }
0x6: {  	s6 =	sshll.u32 s1, $0x1;
	s7 =	smul.u32 $0x280, s1;
	s3 =	simm.s32 $0x0  }
0x7: {  	s13 =	sshll.u32 s1, $0x6;
	s6 =	sor.u32 s5, s6;
	s8 =	smul.u32 $0x2800, s5  }
0x8: {  	[smem:$0x7FF] =	sst s3;
	s5 =	ssub.s32 $0x2, s5;
	s13 =	sor.u32 $0x1C02, s13  }
0x9: {  	s6 =	smul.u32 $0x500, s6;
	s9 =	sshrl.u32 s5, $0x1;
	s8 =	sadd.s32 s7, s8  }
0xa: {  	_ =	strace $0x80000047;
	s9 =	ssub.s32 s5, s9;
	s8 =	sshrl.u32 s8, $0x3  }
0xb: {  	s6 =	sadd.s32 s6, s4;
	s8 =	sadd.s32 s8, s4;
	s4 =	sadd.s32 s7, s2  }
0xc: {  	s5 =	sadd.s32 $0x2000, s6;
	s7 =	smax.u32 s9, $0x1;
	s9 =	simm.s32 $0x2  }
0xd: {  	v0 =	vimm.f32 $1.000000000e+00;
	v1 =	vimm.f32 $0.0e+00;
	s6 =	sadd.s32 $0x16000, s8;
	s8 =	simm.s32 $0x2880;
	s14 =	sshrl.u32 s4, $0x3  }
.LBB2_1:
0xe: {  	[tilespmem:$0x2800] =	vst v0  }
0xf: {  	[tilespmem:$0x2810] =	vst v0  }
0x10: {  	[tilespmem:$0x2820] =	vst v0  }
0x11: {  	[tilespmem:$0x2830] =	vst v0  }
0x12: {  	[tilespmem:$0x2840] =	vst v0  }
0x13: {  	[tilespmem:$0x2850] =	vst v0  }
0x14: {  	[tilespmem:$0x2860] =	vst v0  }
0x15: {  	[tilespmem:$0x2870] =	vst v0  }
0x16: {  	[tilespmem:$0x2880] =	vst v1  }
0x17: {  	[tilespmem:$0x2890] =	vst v1  }
0x18: {  	[tilespmem:$0x28A0] =	vst v1  }
0x19: {  	[tilespmem:$0x28B0] =	vst v1  }
0x1a: {  	[tilespmem:$0x28C0] =	vst v1  }
0x1b: {  	[tilespmem:$0x28D0] =	vst v1  }
0x1c: {  	[tilespmem:$0x28E0] =	vst v1  }
0x1d: {  	[tilespmem:$0x28F0] =	vst v1  }
0x1e: {  	[tilespmem:$0x2900] =	vst v1  }
0x1f: {  	[tilespmem:$0x2910] =	vst v1  }
0x20: {  	[tilespmem:$0x2920] =	vst v1  }
0x21: {  	[tilespmem:$0x2930] =	vst v1  }
0x22: {  	[tilespmem:$0x2940] =	vst v1  }
0x23: {  	[tilespmem:$0x2950] =	vst v1  }
0x24: {  	[tilespmem:$0x2960] =	vst v1  }
0x25: {  	[tilespmem:$0x2970] =	vst v1  }
0x26: {  	[tilespmem:$0x2980] =	vst v1  }
0x27: {  	[tilespmem:$0x2990] =	vst v1  }
0x28: {  	[tilespmem:$0x29A0] =	vst v1  }
0x29: {  	[tilespmem:$0x29B0] =	vst v1  }
0x2a: {  	[tilespmem:$0x29C0] =	vst v1  }
0x2b: {  	[tilespmem:$0x29D0] =	vst v1  }
0x2c: {  	[tilespmem:$0x29E0] =	vst v1  }
0x2d: {  	[tilespmem:$0x29F0] =	vst v1  }
0x2e: {  	[tilespmem:$0x2A00] =	vst v1  }
0x2f: {  	[tilespmem:$0x2A10] =	vst v1  }
0x30: {  	[tilespmem:$0x2A20] =	vst v1  }
0x31: {  	[tilespmem:$0x2A30] =	vst v1  }
0x32: {  	[tilespmem:$0x2A40] =	vst v1  }
0x33: {  	[tilespmem:$0x2A50] =	vst v1  }
0x34: {  	[tilespmem:$0x2A60] =	vst v1  }
0x35: {  	[tilespmem:$0x2A70] =	vst v1  }
0x36: {  	[tilespmem:$0x2A80] =	vst v1  }
0x37: {  	[tilespmem:$0x2A90] =	vst v1  }
0x38: {  	[tilespmem:$0x2AA0] =	vst v1  }
0x39: {  	[tilespmem:$0x2AB0] =	vst v1  }
0x3a: {  	[tilespmem:$0x2AC0] =	vst v1  }
0x3b: {  	[tilespmem:$0x2AD0] =	vst v1  }
0x3c: {  	[tilespmem:$0x2AE0] =	vst v1  }
0x3d: {  	[tilespmem:$0x2AF0] =	vst v1  }
0x3e: {  	[spmem:s4] =	stream.linear.scatter [tilespmem:s8], [sflag:$0x2], $0x280, $0x38;
	[tilespmem:$0x2D80] =	vst v63  }
0x3f: {  	_ =	swait.ge [sflag:s9], $0x280  }
0x40: {  	[sflag:s9] =	ssyncset.done $0x0  }
0x41: {  	[sflag:s9] =	ssyncadd.s32 $0xFFFFFD80  }
0x42: {  	[bflag:$0x0] =	sbarrier.arrive $0xFFFF  }
0x43: {  	[tilespmem:s3], [sflag:$0x2] =	stream.linear.gather [hbm4b:s5+s3], $0x2800, $0x38;
	[tilespmem:$0x2D80] =	vst v63  }
0x44: {  	_ =	swait.ge [sflag:s9], $0x2800  }
0x45: {  	[sflag:s9] =	ssyncset.done $0x0  }
0x46: {  	s16 =	simm.s32 $0x0;
	[sflag:s9] =	ssyncadd.s32 $0xFFFFD800  }
.LBB2_2:
0x47: {  	p0 =	sne.s32 s16, $0x9E00  }
.Ltmp0:
0x48: {  	_ = 	snop;
	(pc) =	sbr.rel @p0 .LBB2_2-.Ltmp0, $3  }
0x49: {  	_ =	sdelay $0x1  }
0x4a: {  	s17 =	sshra.s32 s16, $0x2;
	s16 =	sadd.s32 $0x200, s16  }
0x4b: {  	[spmem:s2] =	stream.indirect.scatter.add.f32 [tilespmem:s11], [sflag:$0x1], $0x1, s17, s10, $0xb8;
	[tilespmem:$0x2D80] =	vst v63  }
0x4c: {  	_ =	swait.ge [sflag:s12], $0x80  }
0x4d: {  	s16 =	simm.s32 $0x4F;
	[sflag:s12] =	ssyncset.done $0x0  }
.LBB2_4:
0x4e: {  	p0 =	sne.s32 s16, $0x1;
	s16 =	sadd.s32 $0xFFFFFFFF, s16;
	[sflag:s12] =	ssyncadd.s32 $0xFFFFFF80  }
.Ltmp1:
0x4f: {  	(pc) =	sbr.rel @p0 .LBB2_4-.Ltmp1, $3  }
0x50: {  	_ =	sdelay $0x1  }
0x51: {  	_ =	swait.ge [sflag:s12], $0x80  }
0x52: {  	[sflag:s12] =	ssyncset.done $0x0  }
0x53: {  	s15 =	sadd.s32 $0x1, s15  }
0x54: {  	[sflag:s12] =	ssyncadd.s32 $0xFFFFFF80;
	p0 =	sne.s32 s15, s7  }
.Ltmp2:
0x55: {  	[bflag:$0x0] =	sbarrier.arrive $0xFFFF;
	(pc) =	sbr.rel @p0 .LBB2_1-.Ltmp2, $4  }
0x56: {  	[hbm:s6], [sflag:s13] =	dma.local [spmem:s14], $0x50  }
0x57: {  	_ =	swait.ge [sflag:s9], $0x50  }
0x58: {  	[sflag:s9] =	ssyncset.done $0x0  }
0x59: {  	[sflag:s9] =	ssyncadd.s32 $0xFFFFFFB0  }
0x5a: {  	_ =	sfence.sel $0x180000  }
0x5b: {  	[bflag:$0x0] =	sbarrier.arrive $0xFFFF  }
0x5c: {  	p0 =	sne.s32 s1, $0x0;
	_ =	strace $0x90000047  }
0x5d: {  	s0 =	sadd.s32 @!p0 $0x100000, s0;
	[bflag:$0x2] =	sbarrier.arrive $0xFFFF  }
0x5e: {  	[sflag:s0] =	ssyncadd.tile.s32 @!p0 $0x1;
	_ =	shalt  }
.Lfunc_end2:
_tile_overlayer_lowered:
.L_overlay_start_2:
0x5f: {  	(tag) =	ssettag $0x2  }
0x60: {  	s0 =	rddreg [dreg:$0x0];
	s2 =	stileid.u32  }
0x61: {  	s1 =	rddreg [dreg:$0x1];
	p0 =	sne.s32 s2, $0x0  }
0x62: {  	s3 =	rddreg [dreg:$0x2];
	[bflag:$0x3] =	sbarrier.arrive $0xFFFF;
	s2 =	simm.s32 @!p0 $0x1C02  }
0x63: {  	[timem:s3], [sflag:s2] =	dma.local @!p0 [hbm:s0], s1  }
0x64: {  	s0 =	simm.s32 @!p0 $0x2  }
0x65: {  	_ =	swait.ge @!p0 [sflag:s0], s1  }
0x66: {  	s1 =	ssub.s32 @!p0 $0x0, s1;
	[sflag:s0] =	ssyncset.done @!p0 $0x0  }
0x67: {  	[sflag:s0] =	ssyncadd.s32 @!p0 s1  }
0x68: {  	[bflag:$0x3] =	sbarrier.arrive $0xFFFF  }
0x69: {  	_ =	shalt  }

// kernel: kernel.9.cloned.1.call-start
scs
__scs_entry_jumppad:
0x0: {  	(pc) =	sbr.rel $0x88, $3  }
0x1: {  	(tag) =	ssettag $0x0;
	lr =	simm.s32 $0x1  }
0x2: {  	[smem:$0x3F9A] =	sst lr;
	_ =	strace $0xD0000000  }
0x3: {  	_ = 	snop  }
0x4: {  	_ = 	snop  }
0x5: {  	_ = 	snop  }
0x6: {  	_ = 	snop  }
0x7: {  	_ = 	snop  }
__scs_overlays_trampoline_lowered:
0x8: {  	[smem:$0x3FA9] =	sst s0  }
0x9: {  	[smem:$0x3FAA] =	sst s1  }
0xa: {  	[smem:$0x3FAB] =	sst s2  }
0xb: {  	[smem:$0x3FAC] =	sst s3  }
0xc: {  	[smem:$0x3FAD] =	sst s4  }
0xd: {  	[smem:$0x3FAE] =	sst s5  }
0xe: {  	[smem:$0x3FAF] =	sst s6  }
0xf: {  	[smem:$0x3FB0] =	sst s7  }
0x10: {  	[smem:$0x3FB1] =	sst s8  }
0x11: {  	[smem:$0x3FB2] =	sst s9;
	s0 =	simm.s32 @!p0 $0x0  }
0x12: {  	s1 =	sld [smem:$0x3F98];
	s0 =	simm.s32 @p0 $0x1  }
0x13: {  	[smem:$0x3FB3] =	sst s0;
	s0 =	simm.s32 @!p1 $0x0  }
0x14: {  	s2 =	sld [smem:$0x3F97];
	s0 =	simm.s32 @p1 $0x1  }
0x15: {  	[smem:$0x3FB4] =	sst s0;
	s0 =	simm.s32 @!p2 $0x0  }
0x16: {  	s3 =	sld [smem:$0x3FDB];
	s0 =	simm.s32 @p2 $0x1  }
0x17: {  	s4 =	simm.s32 $0x1BF5;
	[smem:$0x3FB6] =	sst s0  }
0x18: {  	s0 =	sld [smem:$0x3F99];
	_ =	swait.ge [sflag:s4], $0x0  }
0x19: {  	s7 =	sld [smem:$0x3F9A]  }
0x1a: {  	s8 =	sadd.s32 $0xFFFFE003, lr  }
0x1b: {  	s9 =	sadd.s32 $0xFFFFFEF7, lr;
	s5 =	simm.s32 $0xFFFFFFFF;
	p2 =	slt.u32 s8, $0xFFFFF086  }
0x1c: {  	p1 =	slt.u32 s9, $0xF7A;
	s5 =	simm.s32 @!p2 $0x0  }
0x1d: {  	s5 =	simm.s32 @p1 $0x1;
	p0 =	seq.s32 s7, s2  }
0x1e: {  	s7 =	smul.u32 @!p0 $0xF7A, s2;
	p2 =	seq.s32 @!p0 s5, $0x0  }
0x1f: {  	s9 =	smul.u32 $0xF7A, s1;
	s8 =	simm.s32 @!p0 $0x1BF5;
	p2 =	por !p2, p0  }
0x20: {  	[sflag:s8] =	ssyncset.s32 @!p0 $0xFFFFF086;
	s6 =	sadd.s32 @!p0 s3, s7;
	s7 =	simm.s32 @!p0 $0x108  }
0x21: {  	s3 =	sadd.s32 s3, s9;
	s6 =	sadd.s32 @!p0 $0x88, s6;
	s7 =	simm.s32 @p2 $0x1082  }
0x22: {  	[simem:s7], [sflag:s8] =	dma.local @!p0 [hbm:s6], $0xF7A  }
0x23: {  	s9 =	sor.u32 $0xD0000000, s2;
	s6 =	simm.s32 $0x108;
	_ =	swait.ge @!p0 [sflag:s8], $0x0  }
0x24: {  	s3 =	sadd.s32 $0x88, s3;
	s6 =	simm.s32 @!p1 $0x1082;
	[sflag:s4] =	ssyncset.s32 $0xFFFFF086  }
0x25: {  	[simem:s6], [sflag:s4] =	dma.local [hbm:s3], $0xF7A  }
0x26: {  	[smem:$0x3F9A] =	sst s1;
	(tag) =	ssettag s2;
	_ =	strace s9  }
0x27: {  	s1 =	sld [smem:$0x3FAA]  }
0x28: {  	s2 =	sld [smem:$0x3FAB]  }
0x29: {  	s4 =	sld [smem:$0x3FAD]  }
0x2a: {  	p0 =	seq.s32 s5, $0x0;
	s5 =	sld [smem:$0x3FAE]  }
0x2b: {  	s6 =	sld [smem:$0x3FAF]  }
0x2c: {  	s7 =	sld [smem:$0x3FB0]  }
0x2d: {  	s3 =	simm.s32 $0x108;
	s8 =	sld [smem:$0x3FB1]  }
0x2e: {  	s3 =	simm.s32 @!p0 $0x1082;
	s9 =	sld [smem:$0x3FB2]  }
0x2f: {  	lr =	sadd.s32 s0, s3;
	s0 =	sld [smem:$0x3FA9]  }
0x30: {  	s3 =	sld [smem:$0x3FAC]  }
0x31: {  	[smem:$0x3FB5] =	sst s10  }
0x32: {  	s10 =	sld [smem:$0x3FB3];
	_ =	sdelay $0x3  }
0x33: {  	p0 =	seq.s32 s10, $0x1;
	s10 =	sld [smem:$0x3FB5];
	_ =	sdelay $0x3  }
0x34: {  	[smem:$0x3FB5] =	sst s10  }
0x35: {  	s10 =	sld [smem:$0x3FB4];
	_ =	sdelay $0x3  }
0x36: {  	p1 =	seq.s32 s10, $0x1;
	s10 =	sld [smem:$0x3FB5];
	_ =	sdelay $0x3  }
0x37: {  	[smem:$0x3FB5] =	sst s10  }
0x38: {  	s10 =	sld [smem:$0x3FB6]  }
0x39: {  	_ = 	snop;
	(pc) =	sbr.ind lr, $3  }
0x3a: {  	_ = 	snop  }
0x3b: {  	_ = 	snop  }
0x3c: {  	p2 =	seq.s32 s10, $0x1;
	s10 =	sld [smem:$0x3FB5]  }
0x3d: {  	_ =	shalt  }
0x3e: {  	_ =	shalt  }
0x3f: {  	_ =	shalt  }
0x40: {  	_ =	shalt  }
0x41: {  	_ =	shalt  }
0x42: {  	_ =	shalt  }
0x43: {  	_ =	shalt  }
0x44: {  	_ =	shalt  }
0x45: {  	_ =	shalt  }
0x46: {  	_ =	shalt  }
0x47: {  	_ =	shalt  }
0x48: {  	_ =	shalt  }
0x49: {  	_ =	shalt  }
0x4a: {  	_ =	shalt  }
0x4b: {  	_ =	shalt  }
0x4c: {  	_ =	shalt  }
0x4d: {  	_ =	shalt  }
0x4e: {  	_ =	shalt  }
0x4f: {  	_ =	shalt  }
0x50: {  	_ =	shalt  }
0x51: {  	_ =	shalt  }
0x52: {  	_ =	shalt  }
0x53: {  	_ =	shalt  }
0x54: {  	_ =	shalt  }
0x55: {  	_ =	shalt  }
0x56: {  	_ =	shalt  }
0x57: {  	_ =	shalt  }
0x58: {  	_ =	shalt  }
0x59: {  	_ =	shalt  }
0x5a: {  	_ =	shalt  }
0x5b: {  	_ =	shalt  }
0x5c: {  	_ =	shalt  }
0x5d: {  	_ =	shalt  }
0x5e: {  	_ =	shalt  }
0x5f: {  	_ =	shalt  }
0x60: {  	_ =	shalt  }
0x61: {  	_ =	shalt  }
0x62: {  	_ =	shalt  }
0x63: {  	_ =	shalt  }
0x64: {  	_ =	shalt  }
0x65: {  	_ =	shalt  }
0x66: {  	_ =	shalt  }
0x67: {  	_ =	shalt  }
0x68: {  	_ =	shalt  }
0x69: {  	_ =	shalt  }
0x6a: {  	_ =	shalt  }
0x6b: {  	_ =	shalt  }
0x6c: {  	_ =	shalt  }
0x6d: {  	_ =	shalt  }
0x6e: {  	_ =	shalt  }
0x6f: {  	_ =	shalt  }
0x70: {  	_ =	shalt  }
0x71: {  	_ =	shalt  }
0x72: {  	_ =	shalt  }
0x73: {  	_ =	shalt  }
0x74: {  	_ =	shalt  }
0x75: {  	_ =	shalt  }
0x76: {  	_ =	shalt  }
0x77: {  	_ =	shalt  }
0x78: {  	_ =	shalt  }
0x79: {  	_ =	shalt  }
0x7a: {  	_ =	shalt  }
0x7b: {  	_ =	shalt  }
0x7c: {  	_ =	shalt  }
0x7d: {  	_ =	shalt  }
0x7e: {  	_ =	shalt  }
0x7f: {  	_ =	shalt  }
0x80: {  	_ =	shalt  }
0x81: {  	_ =	shalt  }
0x82: {  	_ =	shalt  }
0x83: {  	_ =	shalt  }
0x84: {  	_ =	shalt  }
0x85: {  	_ =	shalt  }
0x86: {  	_ =	shalt  }
0x87: {  	_ =	shalt  }
.Lfunc_end0:
.L_simem_size_0:
called_computation.1_lowered:
.L_overlay_start_0:
0x88: {  	s2 =	sld [smem:$0x3FD9]  }
0x89: {  	s3 =	sld [smem:$0x3FFE];
	_ =	sdelay $0x1  }
0x8a: {  	s1 =	srdreg.scid  }
0x8b: {  	s0 =	sand.u32 $0x1, s1  }
0x8c: {  	s16 =	sshll.u32 s0, $0xA;
	s2 =	sadd.s32 s3, s2  }
0x8d: {  	s2 =	sadd.s32 s2, s16  }
0x8e: {  	[smem:$0x3FC1] =	sst s2  }
0x8f: {  	_ = 	snop  }
0x90: {  	(tm) =	ssettm $0x1  }
0x91: {  	s17 =	sld [smem:$0x3FFB];
	_ =	sdelay $0x3  }
0x92: {  	_ =	strace s17  }
0x93: {  	s2 =	sld [smem:$0x3FFC];
	_ =	sdelay $0x3  }
0x94: {  	_ =	strace s2  }
0x95: {  	s2 =	sld [smem:$0x3FFD];
	_ =	sdelay $0x3  }
0x96: {  	_ =	strace s2  }
0x97: {  	_ =	strace $0x8FFFFFFF  }
0x98: {  	s18 =	sld [smem:$0x3FDB];
	_ =	sdelay $0x1  }
0x99: {  	s19 =	simm.s32 $_scs_section_size  }
0x9a: {  	s4 =	simm.s32 $_size__tile_overlayer_lowered;
	s5 =	simm.s32 $_tile_overlayer_lowered  }
0x9b: {  	s22 =	simm.s32 $0x1BFF;
	s21 =	sshll.u32 s5, $0x1;
	s2 =	sadd.s32 s19, s18  }
0x9c: {  	s6 =	simm.s32 $0x0;
	s20 =	sshll.u32 s4, $0x1;
	s4 =	sadd.s32 s21, s2  }
0x9d: {  	[timem:s6], [sflag:s22] =	dma.local [hbm:s4], s20  }
0x9e: {  	_ =	swait.ge [sflag:s22], s20  }
0x9f: {  	s3 =	ssub.s32 $0x0, s20;
	[sflag:s22] =	ssyncset.done $0x0  }
0xa0: {  	[sflag:s22] =	ssyncadd.s32 s3;
	_ =	sdelay $0x1  }
0xa1: {  	s23 =	simm.s32 $0x1B8B  }
0xa2: {  	_ =	swait.ge [sflag:s23], $0x1  }
0xa3: {  	[sflag:s23] =	ssyncset.done $0x0  }
0xa4: {  	s25 =	simm.s32 $0x1B8E;
	s24 =	sld [smem:$0x3FFE];
	[sflag:s23] =	ssyncadd.s32 $0xFFFFFFFF  }
0xa5: {  	s26 =	simm.s32 $execute0_lowered;
	[smem:$0x3FD2] =	sst s25  }
0xa6: {  	s4 =	sshll.u32 s26, $0x1;
	_ =	strace $0x80000049;
	[dreg:$0x1] =	wrdreg $0xFFFFFFFF  }
0xa7: {  	s28 =	simm.s32 $_size_execute0_lowered;
	s2 =	sadd.s32 s2, s4;
	[dreg:$0x0] =	wrdreg $0x0  }
0xa8: {  	s4 =	sshll.u32 s28, $0x1;
	[dreg:$0x2] =	wrdreg s2  }
0xa9: {  	[dreg:$0x3] =	wrdreg s4  }
0xaa: {  	[dreg:$0x4] =	wrdreg $0xC0  }
0xab: {  	_ =	task [dreg:s6], $0x5FFFF  }
0xac: {  	[dreg:$0x1] =	wrdreg $0xFFFFFFFF  }
0xad: {  	[dreg:$0x0] =	wrdreg $0x60  }
0xae: {  	[dreg:$0x2] =	wrdreg s24  }
0xaf: {  	[dreg:$0x3] =	wrdreg $0x130000  }
0xb0: {  	[dreg:$0x4] =	wrdreg $0x9  }
0xb1: {  	_ =	task.clear_ibuf [dreg:s6], $0x5FFFF;
	_ =	strace $0x90000049  }
0xb2: {  	s29 =	simm.s32 $0x9;
	_ =	strace $0x8000004B  }
0xb3: {  	_ =	swait.ge [sflag:s29], $0x1  }
0xb4: {  	[sflag:s29] =	ssyncadd.s32 $0xFFFFFFFF  }
0xb5: {  	_ =	strace $0x9000004B  }
0xb6: {  	_ =	sfence  }
0xb7: {  	s30 =	sld [smem:$0x0];
	_ =	sdelay $0x2  }
0xb8: {  	s31 =	sshll.u32 s1, $0xD;
	s1 =	sshrl.u32 s1, $0x2  }
0xb9: {  	s3 =	sand.u32 $0x4000, s31;
	s1 =	sadd.s32 s1, s30  }
0xba: {  	s0 =	sor.u32 s3, s0;
	s1 =	sshll.u32 s1, $0x11  }
0xbb: {  	s0 =	sor.u32 s1, s0  }
0xbc: {  	s0 =	sadd.s32 $0x8F2B, s0  }
0xbd: {  	[sflag:s0] =	ssyncadd.remote.s32 $0x1  }
0xbe: {  	_ =	sfence.sel $0xFFFF  }
0xbf: {  	[dreg:$0x0] =	wrdreg $0xFFFFFFFF;
	(pc) =	sbr.abs _section_cstart, $3  }
0xc0: {  	[dreg:$0x1] =	wrdreg $0xFFFFFFFF  }
0xc1: {  	_ =	task.clear_ibuf [dreg:s6], $0x2FFFF;
	_ =	strace $0x9FFFFFFF  }
0xc2: {  	(tm) =	ssettm $0x7FFFFFFF  }
0xc3: {  	_ =	shalt  }
tec
execute0_lowered:
.L_overlay_start_1:
0x0: {  	(tag) =	ssettag $0x1  }
0x1: {  	s0 =	rddreg [dreg:$0x0]  }
0x2: {  	s2 =	rddreg [dreg:$0x1];
	s1 =	stileid.u32  }
0x3: {  	s5 =	srdreg.scid;
	s3 =	simm.s32 $0x0;
	s16 =	simm.s32 $0x9  }
0x4: {  	s19 =	simm.s32 $0x80;
	s20 =	simm.s32 $0xA000;
	s28 =	simm.s32 $0xE000  }
0x5: {  	s17 =	simm.s32 $0x7;
	s18 =	simm.s32 $0x8;
	s4 =	smul.u32 $0xA00, s1  }
0x6: {  	s5 =	sand.u32 $0x1, s5;
	s6 =	smul.u32 $0xA000, s1;
	[smem:$0x7FF] =	sst s3  }
0x7: {  	s11 =	sadd.s32 $0x16000, s0;
	s14 =	sadd.s32 $0x4B000, s2;
	s29 =	sadd.s32 $0x4E200, s2  }
0x8: {  	s30 =	sadd.s32 $0x4F200, s2;
	p0 =	seq.s32 s1, $0xF;
	s7 =	smul.u32 $0xA0000, s5  }
0x9: {  	_ =	strace $0x8000004A;
	s9 =	smul.u32 $0x9C400, s5;
	[dreg:$0x5] =	wrdreg s29  }
0xa: {  	s22 =	ssub.s32 $0x2, s5;
	s5 =	smul.u32 $0x9C40, s5;
	[dreg:$0x6] =	wrdreg s30  }
0xb: {  	s31 =	sshrl.u32 s14, $0x3;
	s8 =	sadd.s32 s4, s0;
	s10 =	sshrl.u32 s22, $0x1  }
0xc: {  	[dreg:$0x7] =	wrdreg s31;
	s21 =	sadd.s32 s6, s7;
	s7 =	ssub.s32 s22, s10  }
0xd: {  	s23 =	sadd.s32 s6, s9;
	s6 =	sshrl.u32 s6, $0x1;
	s9 =	sshrl.u32 s9, $0x4  }
0xe: {  	s10 =	sadd.s32 $0x2000, s8;
	s4 =	sshrl.u32 s21, $0x4;
	s24 =	sshrl.u32 s23, $0x4  }
0xf: {  	s26 =	sadd.s32 s11, s9;
	s9 =	sadd.s32 $0xC000, s8;
	s13 =	smax.u32 s7, $0x1  }
.Ltmp0:
0x10: {  	s23 =	simm.s32 $0xC000;
	s7 =	simm.s32 $0x3;
	(pc) =	sbr.rel .LBB2_1-.Ltmp0, $4  }
0x11: {  	s8 =	simm.s32 $0x5;
	s0 =	sadd.s32 s4, s0;
	s25 =	sadd.s32 s11, s24  }
0x12: {  	s4 =	sadd.s32 s6, s2;
	s6 =	sadd.s32 $0x9600, s26;
	[dreg:$0x3] =	wrdreg s25  }
0x13: {  	s11 =	sadd.s32 s11, s5;
	s5 =	simm.s32 $0x11000;
	[dreg:$0x4] =	wrdreg s6  }
0x14: {  	v0 =	vimm.bf16 $0.0e+00;
	s12 =	sadd.s32 $0x29A00, s0;
	s0 =	simm.s32 $0x10000;
	s6 =	simm.s32 $0x1  }
.LBB2_9:
0x15: {  	_ =	swait.ge [sflag:s18], $0x1000  }
0x16: {  	[sflag:s18] =	ssyncset.done $0x0  }
0x17: {  	[sflag:s18] =	ssyncadd.s32 $0xFFFFF000  }
0x18: {  	[spmem:s2] =	stream.indirect.scatter.add.bf16 [tilespmem:s5], [sflag:$0x9], $0x20, s22, s19, $0xb8;
	[tilespmem:$0x18000] =	vst v63  }
0x19: {  	_ =	swait.ge [sflag:s16], $0x1000  }
0x1a: {  	s14 =	sshll.u32 s1, $0x6;
	s3 =	sadd.s32 $0x1, s3;
	[sflag:s16] =	ssyncset.done $0x0  }
0x1b: {  	s15 =	sshrl.u32 s4, $0x3;
	p1 =	sne.s32 s3, s13;
	[sflag:s16] =	ssyncadd.s32 $0xFFFFF000  }
.Ltmp1:
0x1c: {  	s14 =	sor.u32 $0x1C09, s14;
	[bflag:$0x0] =	sbarrier.arrive $0xFFFF;
	(pc) =	sbr.rel @!p1 .LBB2_10-.Ltmp1, $4  }
0x1d: {  	[hbm:s12], [sflag:s14] =	dma.local [spmem:s15], $0xA00  }
0x1e: {  	_ =	swait.ge [sflag:s16], $0xA00  }
0x1f: {  	[sflag:s16] =	ssyncset.done $0x0  }
0x20: {  	[sflag:s16] =	ssyncadd.s32 $0xFFFFF600  }
.LBB2_1:
.Ltmp2:
0x21: {  	(pc) =	sbr.rel @!p0 .LBB2_2-.Ltmp2, $1  }
0x22: {  	_ =	sdelay $0x3  }
0x23: {  	s14 =	rddreg [dreg:$0x4]  }
0x24: {  	s15 =	rddreg [dreg:$0x7];
	s21 =	simm.s32 $0x1FC9  }
0x25: {  	[spmem:s15], [sflag:s21] =	dma.local [hbm:s14], $0x640  }
0x26: {  	_ =	swait.ge [sflag:s16], $0x640  }
0x27: {  	[sflag:s16] =	ssyncset.done $0x0  }
0x28: {  	s14 =	simm.s32 $0x80;
	s21 =	simm.s32 $0x0;
	[sflag:s16] =	ssyncadd.s32 $0xFFFFF9C0  }
.LBB2_4:
0x29: {  	p1 =	sne.s32 s14, $0x3F80;
	[tilespmem:s21+$0x12000] =	vst v0;
	s22 =	smov.u32 s14;
	s14 =	sadd.s32 $0x80, s14  }
.Ltmp3:
0x2a: {  	[tilespmem:s21+$0x12010] =	vst v0;
	(pc) =	sbr.rel @p1 .LBB2_4-.Ltmp3, $2  }
0x2b: {  	_ =	sdelay $0x2  }
0x2c: {  	s21 =	sshra.s32 s22, $0x2  }
0x2d: {  	[tilespmem:s21+$0x12000] =	vst v0  }
0x2e: {  	[tilespmem:s21+$0x12010] =	vst v0;
	s14 =	rddreg [dreg:$0x5];
	s15 =	simm.s32 $0x12000  }
0x2f: {  	[spmem:s14] =	stream.linear.scatter [tilespmem:s15], [sflag:$0x9], $0x1000, $0x38;
	[tilespmem:$0x18000] =	vst v63  }
0x30: {  	_ =	swait.ge [sflag:s16], $0x1000  }
0x31: {  	[sflag:s16] =	ssyncset.done $0x0  }
.Ltmp4:
0x32: {  	s31 =	rddreg [dreg:$0x6];
	[sflag:s16] =	ssyncadd.s32 $0xFFFFF000;
	(pc) =	sbr.rel .LBB2_6-.Ltmp4, $4  }
0x33: {  	[spmem:s31] =	stream.linear.scatter [tilespmem:s15], [sflag:$0x9], $0xE00, $0x38;
	[tilespmem:$0x18000] =	vst v63  }
0x34: {  	_ =	swait.ge [sflag:s16], $0xE00  }
0x35: {  	[sflag:s16] =	ssyncset.done $0x0  }
0x36: {  	[sflag:s16] =	ssyncadd.s32 $0xFFFFF200  }
.LBB2_2:
0x37: {  	s14 =	sshll.u32 s1, $0x6  }
0x38: {  	s21 =	sshrl.u32 s4, $0x3;
	s15 =	rddreg [dreg:$0x3];
	s14 =	sor.u32 $0x1C09, s14  }
0x39: {  	[spmem:s21], [sflag:s14] =	dma.local [hbm:s15], $0xA00  }
0x3a: {  	_ =	swait.ge [sflag:s16], $0xA00  }
0x3b: {  	[sflag:s16] =	ssyncset.done $0x0  }
0x3c: {  	[sflag:s16] =	ssyncadd.s32 $0xFFFFF600  }
.LBB2_6:
0x3d: {  	[bflag:$0x0] =	sbarrier.arrive $0xFFFF;
	s21 =	simm.s32 $0x0  }
0x3e: {  	[tilespmem:s21], [sflag:$0x9] =	stream.linear.gather [hbm4b:s9+s21], $0x5000, $0x38;
	[tilespmem:$0x18000] =	vst v63  }
0x3f: {  	_ =	swait.ge [sflag:s16], $0x5000  }
0x40: {  	[sflag:s16] =	ssyncset.done $0x0  }
0x41: {  	s14 =	simm.s32 $0x5000;
	[sflag:s16] =	ssyncadd.s32 $0xFFFFB000  }
0x42: {  	[tilespmem:s14], [sflag:$0x9] =	stream.linear.gather [hbm4b:s10+s21], $0x5000, $0x38;
	[tilespmem:$0x18000] =	vst v63  }
0x43: {  	_ =	swait.ge [sflag:s16], $0x5000  }
0x44: {  	[sflag:s16] =	ssyncset.done $0x0  }
0x45: {  	[sflag:s16] =	ssyncadd.s32 $0xFFFFB000  }
0x46: {  	[tilespmem:s20], [sflag:$0x1] =	stream.indirect.gather [hbm4b:s11+s19], $0x20, s21, s19, $0xb8;
	[tilespmem:$0x18000] =	vst v63  }
0x47: {  	s15 =	simm.s32 $0xB000  }
0x48: {  	[tilespmem:s15], [sflag:$0x2] =	stream.indirect.gather [hbm4b:s11+s19], $0x20, s19, s19, $0xb8;
	[tilespmem:$0x18000] =	vst v63  }
0x49: {  	s22 =	simm.s32 $0x100  }
0x4a: {  	[tilespmem:s23], [sflag:$0x3] =	stream.indirect.gather [hbm4b:s11+s19], $0x20, s22, s19, $0xb8;
	[tilespmem:$0x18000] =	vst v63  }
0x4b: {  	s24 =	simm.s32 $0x180;
	s15 =	simm.s32 $0xD000  }
0x4c: {  	[tilespmem:s15], [sflag:$0x4] =	stream.indirect.gather [hbm4b:s11+s19], $0x20, s24, s19, $0xb8;
	[tilespmem:$0x18000] =	vst v63  }
0x4d: {  	s25 =	simm.s32 $0x200  }
0x4e: {  	[tilespmem:s28], [sflag:$0x5] =	stream.indirect.gather [hbm4b:s11+s19], $0x20, s25, s19, $0xb8;
	[tilespmem:$0x18000] =	vst v63  }
0x4f: {  	s26 =	simm.s32 $0x280;
	s29 =	simm.s32 $0xF000  }
0x50: {  	[tilespmem:s29], [sflag:$0x6] =	stream.indirect.gather [hbm4b:s11+s19], $0x20, s26, s19, $0xb8;
	[tilespmem:$0x18000] =	vst v63  }
0x51: {  	s30 =	simm.s32 $0x300  }
0x52: {  	[tilespmem:s0], [sflag:$0x7] =	stream.indirect.gather [hbm4b:s11+s19], $0x20, s30, s19, $0xb8;
	[tilespmem:$0x18000] =	vst v63  }
0x53: {  	s31 =	simm.s32 $0x380  }
0x54: {  	[tilespmem:s5], [sflag:$0x8] =	stream.indirect.gather [hbm4b:s11+s19], $0x20, s31, s19, $0xb8;
	[tilespmem:$0x18000] =	vst v63  }
.LBB2_7:
0x55: {  	_ =	swait.ge [sflag:s6], $0x1000  }
0x56: {  	s14 =	sshra.s32 s21, $0x2;
	[sflag:s6] =	ssyncset.done $0x0  }
0x57: {  	s22 =	sadd.s32 $0x5000, s14;
	[sflag:s6] =	ssyncadd.s32 $0xFFFFF000  }
0x58: {  	[spmem:s2] =	stream.indirect.scatter.add.bf16 [tilespmem:s20], [sflag:$0x9], $0x20, s22, s19, $0xb8;
	[tilespmem:$0x18000] =	vst v63  }
0x59: {  	_ =	swait.ge [sflag:s16], $0x1000  }
0x5a: {  	p1 =	seq.s32 s21, $0x13000;
	[sflag:s16] =	ssyncset.done $0x0  }
0x5b: {  	s22 =	simm.s32 @p1 $0x2;
	[sflag:s16] =	ssyncadd.s32 $0xFFFFF000  }
0x5c: {  	s25 =	sshra.s32 @p1 s21, $0x2;
	_ =	swait.ge @p1 [sflag:s22], $0x1000  }
0x5d: {  	s26 =	simm.s32 @p1 $0x80;
	s24 =	simm.s32 @p1 $0xB000;
	[sflag:s22] =	ssyncset.done @p1 $0x0  }
0x5e: {  	s29 =	simm.s32 @p1 $0x9;
	[sflag:s22] =	ssyncadd.s32 @p1 $0xFFFFF000;
	s22 =	sadd.s32 @p1 $0x5080, s25  }
0x5f: {  	[spmem:s2] =	stream.indirect.scatter.add.bf16 @p1 [tilespmem:s24], [sflag:$0x9], $0x20, s22, s26, $0xb8;
	[tilespmem:$0x18000] =	vst v63  }
0x60: {  	_ =	swait.ge @p1 [sflag:s29], $0x1000  }
0x61: {  	s31 =	simm.s32 @!p1 $0xA000;
	s22 =	sshra.s32 @!p1 s21, $0x2;
	[sflag:s29] =	ssyncset.done @p1 $0x0  }
0x62: {  	s24 =	simm.s32 @!p1 $0x80;
	s30 =	sadd.s32 @!p1 $0x400, s22;
	[sflag:s29] =	ssyncadd.s32 @p1 $0xFFFFF000  }
0x63: {  	[tilespmem:s31], [sflag:$0x1] =	stream.indirect.gather @!p1 [hbm4b:s11+s24], $0x20, s30, s24, $0xb8;
	[tilespmem:$0x18000] =	vst v63  }
0x64: {  	s30 =	simm.s32 @!p1 $0x2  }
0x65: {  	_ =	swait.ge @!p1 [sflag:s30], $0x1000  }
0x66: {  	[sflag:s30] =	ssyncset.done @!p1 $0x0  }
0x67: {  	s31 =	simm.s32 @!p1 $0xB000;
	[sflag:s30] =	ssyncadd.s32 @!p1 $0xFFFFF000;
	s30 =	sadd.s32 @!p1 $0x5080, s22  }
0x68: {  	[spmem:s2] =	stream.indirect.scatter.add.bf16 @!p1 [tilespmem:s31], [sflag:$0x9], $0x20, s30, s24, $0xb8;
	[tilespmem:$0x18000] =	vst v63  }
0x69: {  	s30 =	simm.s32 @!p1 $0x9  }
0x6a: {  	_ =	swait.ge @!p1 [sflag:s30], $0x1000  }
0x6b: {  	[sflag:s30] =	ssyncset.done @!p1 $0x0  }
0x6c: {  	s15 =	sadd.s32 @!p1 $0x480, s22;
	[sflag:s30] =	ssyncadd.s32 @!p1 $0xFFFFF000  }
0x6d: {  	[tilespmem:s31], [sflag:$0x2] =	stream.indirect.gather @!p1 [hbm4b:s11+s24], $0x20, s15, s24, $0xb8;
	[tilespmem:$0x18000] =	vst v63  }
0x6e: {  	_ =	swait.ge [sflag:s7], $0x1000  }
0x6f: {  	[sflag:s7] =	ssyncset.done $0x0  }
0x70: {  	s31 =	sadd.s32 $0x5100, s14;
	[sflag:s7] =	ssyncadd.s32 $0xFFFFF000  }
0x71: {  	[spmem:s2] =	stream.indirect.scatter.add.bf16 [tilespmem:s23], [sflag:$0x9], $0x20, s31, s19, $0xb8;
	[tilespmem:$0x18000] =	vst v63  }
0x72: {  	_ =	swait.ge [sflag:s16], $0x1000  }
0x73: {  	[sflag:s16] =	ssyncset.done $0x0  }
0x74: {  	s15 =	simm.s32 @p1 $0x4;
	[sflag:s16] =	ssyncadd.s32 $0xFFFFF000  }
0x75: {  	_ =	swait.ge @p1 [sflag:s15], $0x1000  }
0x76: {  	[sflag:s15] =	ssyncset.done @p1 $0x0  }
0x77: {  	s31 =	simm.s32 @p1 $0xD000;
	[sflag:s15] =	ssyncadd.s32 @p1 $0xFFFFF000;
	s15 =	sadd.s32 @p1 $0x5180, s25  }
0x78: {  	[spmem:s2] =	stream.indirect.scatter.add.bf16 @p1 [tilespmem:s31], [sflag:$0x9], $0x20, s15, s26, $0xb8;
	[tilespmem:$0x18000] =	vst v63  }
0x79: {  	_ =	swait.ge @p1 [sflag:s29], $0x1000  }
0x7a: {  	[sflag:s29] =	ssyncset.done @p1 $0x0  }
0x7b: {  	s15 =	sadd.s32 @!p1 $0x500, s22;
	s31 =	simm.s32 @!p1 $0xC000;
	[sflag:s29] =	ssyncadd.s32 @p1 $0xFFFFF000  }
0x7c: {  	[tilespmem:s31], [sflag:$0x3] =	stream.indirect.gather @!p1 [hbm4b:s11+s24], $0x20, s15, s24, $0xb8;
	[tilespmem:$0x18000] =	vst v63  }
0x7d: {  	s15 =	simm.s32 @!p1 $0x4  }
0x7e: {  	_ =	swait.ge @!p1 [sflag:s15], $0x1000  }
0x7f: {  	[sflag:s15] =	ssyncset.done @!p1 $0x0  }
0x80: {  	s31 =	simm.s32 @!p1 $0xD000;
	[sflag:s15] =	ssyncadd.s32 @!p1 $0xFFFFF000;
	s15 =	sadd.s32 @!p1 $0x5180, s22  }
0x81: {  	[spmem:s2] =	stream.indirect.scatter.add.bf16 @!p1 [tilespmem:s31], [sflag:$0x9], $0x20, s15, s24, $0xb8;
	[tilespmem:$0x18000] =	vst v63  }
0x82: {  	_ =	swait.ge @!p1 [sflag:s30], $0x1000  }
0x83: {  	[sflag:s30] =	ssyncset.done @!p1 $0x0  }
0x84: {  	s15 =	sadd.s32 @!p1 $0x580, s22;
	[sflag:s30] =	ssyncadd.s32 @!p1 $0xFFFFF000  }
0x85: {  	[tilespmem:s31], [sflag:$0x4] =	stream.indirect.gather @!p1 [hbm4b:s11+s24], $0x20, s15, s24, $0xb8;
	[tilespmem:$0x18000] =	vst v63  }
0x86: {  	_ =	swait.ge [sflag:s8], $0x1000  }
0x87: {  	[sflag:s8] =	ssyncset.done $0x0  }
0x88: {  	s31 =	sadd.s32 $0x5200, s14;
	[sflag:s8] =	ssyncadd.s32 $0xFFFFF000  }
0x89: {  	[spmem:s2] =	stream.indirect.scatter.add.bf16 [tilespmem:s28], [sflag:$0x9], $0x20, s31, s19, $0xb8;
	[tilespmem:$0x18000] =	vst v63  }
0x8a: {  	_ =	swait.ge [sflag:s16], $0x1000  }
0x8b: {  	[sflag:s16] =	ssyncset.done $0x0  }
0x8c: {  	s15 =	simm.s32 @p1 $0x6;
	[sflag:s16] =	ssyncadd.s32 $0xFFFFF000  }
0x8d: {  	_ =	swait.ge @p1 [sflag:s15], $0x1000  }
0x8e: {  	[sflag:s15] =	ssyncset.done @p1 $0x0  }
0x8f: {  	[sflag:s15] =	ssyncadd.s32 @p1 $0xFFFFF000;
	s15 =	sadd.s32 @p1 $0x5280, s25;
	s25 =	simm.s32 @p1 $0xF000  }
0x90: {  	[spmem:s2] =	stream.indirect.scatter.add.bf16 @p1 [tilespmem:s25], [sflag:$0x9], $0x20, s15, s26, $0xb8;
	[tilespmem:$0x18000] =	vst v63  }
0x91: {  	_ =	swait.ge @p1 [sflag:s29], $0x1000  }
0x92: {  	[sflag:s29] =	ssyncset.done @p1 $0x0  }
0x93: {  	s15 =	sadd.s32 @!p1 $0x600, s22;
	s25 =	simm.s32 @!p1 $0xE000;
	[sflag:s29] =	ssyncadd.s32 @p1 $0xFFFFF000  }
0x94: {  	[tilespmem:s25], [sflag:$0x5] =	stream.indirect.gather @!p1 [hbm4b:s11+s24], $0x20, s15, s24, $0xb8;
	[tilespmem:$0x18000] =	vst v63  }
0x95: {  	s15 =	simm.s32 @!p1 $0x6  }
0x96: {  	_ =	swait.ge @!p1 [sflag:s15], $0x1000  }
0x97: {  	[sflag:s15] =	ssyncset.done @!p1 $0x0  }
0x98: {  	s25 =	simm.s32 @!p1 $0xF000;
	[sflag:s15] =	ssyncadd.s32 @!p1 $0xFFFFF000;
	s15 =	sadd.s32 @!p1 $0x5280, s22  }
0x99: {  	[spmem:s2] =	stream.indirect.scatter.add.bf16 @!p1 [tilespmem:s25], [sflag:$0x9], $0x20, s15, s24, $0xb8;
	[tilespmem:$0x18000] =	vst v63  }
0x9a: {  	_ =	swait.ge @!p1 [sflag:s30], $0x1000  }
0x9b: {  	[sflag:s30] =	ssyncset.done @!p1 $0x0  }
0x9c: {  	s15 =	sadd.s32 @!p1 $0x680, s22;
	[sflag:s30] =	ssyncadd.s32 @!p1 $0xFFFFF000  }
0x9d: {  	[tilespmem:s25], [sflag:$0x6] =	stream.indirect.gather @!p1 [hbm4b:s11+s24], $0x20, s15, s24, $0xb8;
	[tilespmem:$0x18000] =	vst v63  }
0x9e: {  	_ =	swait.ge [sflag:s17], $0x1000  }
0x9f: {  	[sflag:s17] =	ssyncset.done $0x0  }
.Ltmp5:
0xa0: {  	s31 =	sadd.s32 $0x5300, s14;
	[sflag:s17] =	ssyncadd.s32 $0xFFFFF000;
	(pc) =	sbr.rel @p1 .LBB2_9-.Ltmp5, $4  }
0xa1: {  	[spmem:s2] =	stream.indirect.scatter.add.bf16 [tilespmem:s0], [sflag:$0x9], $0x20, s31, s19, $0xb8;
	[tilespmem:$0x18000] =	vst v63  }
0xa2: {  	_ =	swait.ge [sflag:s16], $0x1000  }
0xa3: {  	[sflag:s16] =	ssyncset.done $0x0  }
0xa4: {  	s22 =	sadd.s32 $0x5380, s14;
	[sflag:s16] =	ssyncadd.s32 $0xFFFFF000  }
0xa5: {  	s15 =	sadd.s32 $0x700, s14  }
0xa6: {  	[tilespmem:s0], [sflag:$0x7] =	stream.indirect.gather [hbm4b:s11+s19], $0x20, s15, s19, $0xb8;
	[tilespmem:$0x18000] =	vst v63  }
0xa7: {  	_ =	swait.ge [sflag:s18], $0x1000  }
0xa8: {  	[sflag:s18] =	ssyncset.done $0x0  }
0xa9: {  	[sflag:s18] =	ssyncadd.s32 $0xFFFFF000  }
0xaa: {  	[spmem:s2] =	stream.indirect.scatter.add.bf16 [tilespmem:s5], [sflag:$0x9], $0x20, s22, s19, $0xb8;
	[tilespmem:$0x18000] =	vst v63  }
.Ltmp6:
0xab: {  	_ = 	snop;
	(pc) =	sbr.rel .LBB2_7-.Ltmp6, $4  }
0xac: {  	_ =	swait.ge [sflag:s16], $0x1000  }
0xad: {  	[sflag:s16] =	ssyncset.done $0x0  }
0xae: {  	s31 =	sadd.s32 $0x780, s14;
	s21 =	sadd.s32 $0x1000, s21;
	[sflag:s16] =	ssyncadd.s32 $0xFFFFF000  }
0xaf: {  	[tilespmem:s5], [sflag:$0x8] =	stream.indirect.gather [hbm4b:s11+s19], $0x20, s31, s19, $0xb8;
	[tilespmem:$0x18000] =	vst v63  }
.LBB2_10:
0xb0: {  	_ =	sfence.sel $0x180000  }
0xb1: {  	[bflag:$0x0] =	sbarrier.arrive $0xFFFF  }
0xb2: {  	_ =	strace $0x9000004A  }
0xb3: {  	[bflag:$0x2] =	sbarrier.arrive $0xFFFF  }
0xb4: {  	p0 =	sne.s32 s1, $0x0;
	s0 =	rddreg [dreg:$0x2]  }
0xb5: {  	s0 =	sadd.s32 @!p0 $0x100000, s0  }
0xb6: {  	[sflag:s0] =	ssyncadd.tile.s32 @!p0 $0x1;
	_ =	shalt  }
.Lfunc_end2:
_tile_overlayer_lowered:
.L_overlay_start_2:
0xb7: {  	(tag) =	ssettag $0x2  }
0xb8: {  	s0 =	rddreg [dreg:$0x0];
	s2 =	stileid.u32  }
0xb9: {  	s1 =	rddreg [dreg:$0x1];
	p0 =	sne.s32 s2, $0x0  }
0xba: {  	s3 =	rddreg [dreg:$0x2];
	[bflag:$0x3] =	sbarrier.arrive $0xFFFF;
	s2 =	simm.s32 @!p0 $0x1C09  }
0xbb: {  	[timem:s3], [sflag:s2] =	dma.local @!p0 [hbm:s0], s1  }
0xbc: {  	s0 =	simm.s32 @!p0 $0x9  }
0xbd: {  	_ =	swait.ge @!p0 [sflag:s0], s1  }
0xbe: {  	s1 =	ssub.s32 @!p0 $0x0, s1;
	[sflag:s0] =	ssyncset.done @!p0 $0x0  }
0xbf: {  	[sflag:s0] =	ssyncadd.s32 @!p0 s1  }
0xc0: {  	[bflag:$0x3] =	sbarrier.arrive $0xFFFF  }
0xc1: {  	_ =	shalt  }

</sc_bundles>
